<compile_context>
chip_gen: v7x
topology: tpu7x:2x2x1
jax: 0.10.2.dev20260603
libtpu: 0.0.44.dev20260713+nightly
codegen_flags: <defaults>
</compile_context>

<pallas_src>
import functools

import jax
import jax.numpy as jnp
from jax import lax
from jax.experimental import pallas as pl
from jax.experimental.pallas import tpu as pltpu, tpu_sc as plsc

_NC = 2
_NS = 16
_NW = _NC * _NS
_L = 16

_C = 128
_H, _W = 96, 320
_HW = _H * _W
_TW = _HW + _L
_N = 128 * 128 * 16
_R = _C // _NW
_PER_S = _N // _NS
_CHP = 256
_CH = 512
_NCH = _N // _CH


def _flosp_body(src, pix, fov, out, idx_out,
                table_v, idx_v, out_v, pix_v, fov_v, idxo_v,
                sem_in, sem_out):
    sc = lax.axis_index("c")
    s = lax.axis_index("s")
    wid = s * _NC + sc
    lane = lax.iota(jnp.int32, _L)

    def p1_chunk(g, carry):
        base = s * _PER_S + g * _CHP
        pltpu.sync_copy(pix.at[pl.ds(2 * base, 2 * _CHP)], pix_v)
        pltpu.sync_copy(fov.at[pl.ds(base, _CHP)], fov_v)

        @plsc.parallel_loop(0, _CHP // _L, unroll=4)
        def p1_vec(j):
            px = plsc.load_gather(pix_v, [j * 32 + 2 * lane])
            py = plsc.load_gather(pix_v, [j * 32 + 2 * lane + 1])
            fv = fov_v[pl.ds(j * _L, _L)]
            ic = jnp.clip(py, 0, _H - 1) * _W + jnp.clip(px, 0, _W - 1)
            ic = jnp.where(fv != 0, ic, _HW)
            idxo_v[pl.ds(j * _L, _L)] = ic

        pltpu.sync_copy(idxo_v, idx_out.at[sc, pl.ds(base, _CHP)])
        return carry

    lax.fori_loop(0, _PER_S // _CHP, p1_chunk, 0)
    plsc.subcore_barrier()

    for r in range(_R):
        pltpu.sync_copy(src.at[_R * wid + r], table_v.at[r, pl.ds(0, _HW)])
        table_v[r, pl.ds(_HW, _L)] = jnp.zeros((_L,), jnp.float32)

    row_ids = [jnp.full((_L,), r, jnp.int32) for r in range(_R)]

    def idx_cp(g, par):
        return pltpu.make_async_copy(
            idx_out.at[sc, pl.ds(g * _CH, _CH)], idx_v.at[par], sem_in.at[par])

    def out_cp(g, par):
        return pltpu.make_async_copy(
            out_v.at[par],
            out.at[pl.ds(_R * wid, _R), pl.ds(g * _CH, _CH)],
            sem_out.at[par])

    idx_cp(0, 0).start()

    def p2_pair(gp, carry):
        g0 = gp * 2
        for par in range(2):
            g = g0 + par

            @pl.when(g + 1 < _NCH)
            def _():
                idx_cp(g + 1, 1 - par).start()

            idx_cp(g, par).wait()

            @pl.when(g >= 2)
            def _():
                out_cp(g - 2, par).wait()

            @plsc.parallel_loop(0, _CH // _L, unroll=4)
            def p2_vec(j):
                iv = idx_v[par, pl.ds(j * _L, _L)]
                for r in range(_R):
                    out_v[par, r, pl.ds(j * _L, _L)] = plsc.load_gather(
                        table_v, [row_ids[r], iv])

            out_cp(g, par).start()
        return carry

    lax.fori_loop(0, _NCH // 2, p2_pair, 0)
    for par in range(2):
        out_cp(_NCH - 2 + par, par).wait()


@functools.partial(jax.jit, static_argnums=())
def _flosp_gather(src, pix, fov):
    mesh = plsc.VectorSubcoreMesh(core_axis_name="c", subcore_axis_name="s")
    f = pl.kernel(
        _flosp_body,
        out_type=(
            jax.ShapeDtypeStruct((_C, _N), jnp.float32),
            jax.ShapeDtypeStruct((_NC, _N), jnp.int32),
        ),
        mesh=mesh,
        compiler_params=pltpu.CompilerParams(needs_layout_passes=False),
        scratch_types=(
            pltpu.VMEM((_R, _TW), jnp.float32),
            pltpu.VMEM((2, _CH), jnp.int32),
            pltpu.VMEM((2, _R, _CH), jnp.float32),
            pltpu.VMEM((2 * _CHP,), jnp.int32),
            pltpu.VMEM((_CHP,), jnp.int32),
            pltpu.VMEM((_CHP,), jnp.int32),
            pltpu.SemaphoreType.DMA((2,)),
            pltpu.SemaphoreType.DMA((2,)),
        ),
    )
    return f(src, pix, fov)


def kernel(x2d, projected_pix, fov_mask):
    bs, c, h, w = x2d.shape
    src = x2d.reshape(c, h * w)
    pix = projected_pix.reshape(-1)
    fov = fov_mask.reshape(-1).astype(jnp.int32)
    out, _ = _flosp_gather(src, pix, fov)
    return out.reshape(bs, c, 128, 128, 16)

# --- scband reference (transcript-rebuilt; emitter-appended) ---
"""Pipeline reference for scband-flo-sp-12086037971027 (READ-ONLY COPY).

The authoritative reference and input builder live on the scoring server;
editing this copy changes nothing except your own understanding.
"""

import jax, jax.numpy as jnp
import numpy as np

SCENE_SIZE = (256, 256, 32)
PROJECT_SCALE = 2


def setup_inputs(seed: int = 0):
    key = jax.random.key(seed)
    k1, k2, k3 = jax.random.split(key, 3)
    bs, c, h, w = 1, 128, 96, 320
    N = (SCENE_SIZE[0] // PROJECT_SCALE) * (SCENE_SIZE[1] // PROJECT_SCALE) * (SCENE_SIZE[2] // PROJECT_SCALE)
    x2d = jax.random.normal(k1, (bs, c, h, w), dtype=jnp.float32)
    projected_pix = jax.random.randint(k2, (bs, N, 2), 0, 320, dtype=jnp.int32)
    fov_mask = jax.random.randint(k3, (bs, N), 0, 2, dtype=jnp.int32).astype(jnp.bool_)
    return {"x2d": x2d, "projected_pix": projected_pix, "fov_mask": fov_mask}


def reference(x2d, projected_pix, fov_mask):
    bs, c, h, w = x2d.shape
    src = x2d.reshape(bs, c, h * w)
    # F.pad(src, (0, 1), value=0): pad one zero column at end of last dim
    src = jnp.pad(src, ((0, 0), (0, 0), (0, 1)))
    img_indices = (jnp.clip(projected_pix[..., 1], 0, h - 1) * w
                   + jnp.clip(projected_pix[..., 0], 0, w - 1))
    # out-of-FOV voxels point at the zero pad column (index h*w)
    img_indices = jnp.where(fov_mask, img_indices, h * w)
    # gather per batch element: feats[b, c, n] = src[b, c, img_indices[b, n]]
    feats = jax.vmap(lambda s, idx: jnp.take(s, idx, axis=1))(src, img_indices)
    out_shape = tuple(s // PROJECT_SCALE for s in SCENE_SIZE)
    x3d = feats.reshape(bs, c, *out_shape)
    return x3d

if __name__ == "__main__":
    import jax
    _d = setup_inputs()
    print(jax.jit(kernel)(*tuple(_d.values())))

</pallas_src>

<mosaic_0001>
#map = affine_map<(d0, d1) -> (0, 0)>
#map1 = affine_map<(d0, d1) -> (0)>
module attributes {stable_mosaic.version = 14 : i64} {
  func.func @_flosp_body(%arg0: i32, %arg1: i32, %arg2: memref<128x30720xf32, #tpu.memory_space<hbm>>, %arg3: memref<524288xi32, #tpu.memory_space<hbm>>, %arg4: memref<262144xi32, #tpu.memory_space<hbm>>, %arg5: memref<128x262144xf32, #tpu.memory_space<hbm>>, %arg6: memref<2x262144xi32, #tpu.memory_space<hbm>>, %arg7: memref<4x30736xf32, #tpu.memory_space<vmem>>, %arg8: memref<2x512xi32, #tpu.memory_space<vmem>>, %arg9: memref<2x4x512xf32, #tpu.memory_space<vmem>>, %arg10: memref<512xi32, #tpu.memory_space<vmem>>, %arg11: memref<256xi32, #tpu.memory_space<vmem>>, %arg12: memref<256xi32, #tpu.memory_space<vmem>>, %arg13: memref<2x!tpu.dma_semaphore, #tpu.memory_space<semaphore_mem>>, %arg14: memref<2x!tpu.dma_semaphore, #tpu.memory_space<semaphore_mem>>) attributes {dimension_semantics = [#tpu.dimension_semantics<core_parallel>, #tpu.dimension_semantics<subcore_parallel>], iteration_bounds = array<i64: 2, 16>, scalar_prefetch = 0 : i64, scratch_operands = 8 : i64, tpu.core_type = #tpu.core_type<sc_vector_subcore>, window_params = [{transform_indices = #map}, {transform_indices = #map1}, {transform_indices = #map1}, {transform_indices = #map}, {transform_indices = #map}]} {
    %mul3A = arith.constant 2 : i32
    %mul3A_0 = arith.muli %arg1, %mul3A : i32
    %add3A = arith.addi %mul3A_0, %arg0 : i32
    %iota3A = tpu.iota {dimensions = array<i32: 0>} : vector<16xi32>
    %scan3A = arith.constant 0 : i32
    %scan3A_1 = arith.constant 0 : i32
    %scan3A_2 = arith.constant 64 : i32
    %scan3A_3 = arith.addi %scan3A_1, %scan3A_2 : i32
    %scan3A_4 = arith.constant 1 : i32
    scf.for %scan3A_111 = %scan3A_1 to %scan3A_3 step %scan3A_4  : i32 {
      %mul3A_112 = arith.constant 16384 : i32
      %mul3A_113 = arith.muli %arg1, %mul3A_112 : i32
      %mul3A_114 = arith.constant 256 : i32
      %mul3A_115 = arith.muli %scan3A_111, %mul3A_114 : i32
      %add3A_116 = arith.addi %mul3A_113, %mul3A_115 : i32
      %mul3A_117 = arith.constant 2 : i32
      %mul3A_118 = arith.muli %mul3A_117, %add3A_116 : i32
      "tpu.region"() ({
        %run_scoped3A_121 = tpu.sem_alloc : memref<!tpu.dma_semaphore, #tpu.memory_space<semaphore_mem>>
        %dma_start3A_122 = tpu.memref_slice %arg3[%mul3A_118] : memref<524288xi32, #tpu.memory_space<hbm>> -> memref<512xi32, #tpu.memory_space<hbm>>
        %dma_start3A_123 = tpu.memref_slice %arg3[%mul3A_118] : memref<524288xi32, #tpu.memory_space<hbm>> -> memref<512xi32, #tpu.memory_space<hbm>>
        tpu.enqueue_dma source(%dma_start3A_123 : memref<512xi32, #tpu.memory_space<hbm>>) target(%arg10 : memref<512xi32, #tpu.memory_space<vmem>>) target_semaphore(%run_scoped3A_121 : memref<!tpu.dma_semaphore, #tpu.memory_space<semaphore_mem>>)
        %dma_wait3A_124 = tpu.memref_slice %arg3[%mul3A_118] : memref<524288xi32, #tpu.memory_space<hbm>> -> memref<512xi32, #tpu.memory_space<hbm>>
        %dma_wait3A_125 = tpu.memref_slice %arg3[%mul3A_118] : memref<524288xi32, #tpu.memory_space<hbm>> -> memref<512xi32, #tpu.memory_space<hbm>>
        tpu.wait_dma2 semaphore(%run_scoped3A_121 : memref<!tpu.dma_semaphore, #tpu.memory_space<semaphore_mem>>) src(%dma_wait3A_125 : memref<512xi32, #tpu.memory_space<hbm>>) dst(%arg10 : memref<512xi32, #tpu.memory_space<vmem>>)
        tpu.yield
      }) : () -> ()
      "tpu.region"() ({
        %run_scoped3A_121 = tpu.sem_alloc : memref<!tpu.dma_semaphore, #tpu.memory_space<semaphore_mem>>
        %dma_start3A_122 = tpu.memref_slice %arg4[%add3A_116] : memref<262144xi32, #tpu.memory_space<hbm>> -> memref<256xi32, #tpu.memory_space<hbm>>
        %dma_start3A_123 = tpu.memref_slice %arg4[%add3A_116] : memref<262144xi32, #tpu.memory_space<hbm>> -> memref<256xi32, #tpu.memory_space<hbm>>
        tpu.enqueue_dma source(%dma_start3A_123 : memref<256xi32, #tpu.memory_space<hbm>>) target(%arg11 : memref<256xi32, #tpu.memory_space<vmem>>) target_semaphore(%run_scoped3A_121 : memref<!tpu.dma_semaphore, #tpu.memory_space<semaphore_mem>>)
        %dma_wait3A_124 = tpu.memref_slice %arg4[%add3A_116] : memref<262144xi32, #tpu.memory_space<hbm>> -> memref<256xi32, #tpu.memory_space<hbm>>
        %dma_wait3A_125 = tpu.memref_slice %arg4[%add3A_116] : memref<262144xi32, #tpu.memory_space<hbm>> -> memref<256xi32, #tpu.memory_space<hbm>>
        tpu.wait_dma2 semaphore(%run_scoped3A_121 : memref<!tpu.dma_semaphore, #tpu.memory_space<semaphore_mem>>) src(%dma_wait3A_125 : memref<256xi32, #tpu.memory_space<hbm>>) dst(%arg11 : memref<256xi32, #tpu.memory_space<vmem>>)
        tpu.yield
      }) : () -> ()
      %parallel_loop3A = arith.constant 0 : i32
      %parallel_loop3A_119 = arith.constant 16 : i32
      %parallel_loop3A_120 = arith.constant 1 : i32
      scf.for %parallel_loop3A_121 = %parallel_loop3A to %parallel_loop3A_119 step %parallel_loop3A_120  : i32 {
        %parallel_loop3A_122 = arith.constant 32 : i32
        %parallel_loop3A_123 = arith.muli %parallel_loop3A_121, %parallel_loop3A_122 : i32
        %parallel_loop3A_124 = arith.constant 2 : i32
        %parallel_loop3A_125 = vector.broadcast %parallel_loop3A_124 : i32 to vector<16xi32>
        %parallel_loop3A_126 = arith.muli %parallel_loop3A_125, %iota3A : vector<16xi32>
        %parallel_loop3A_127 = vector.broadcast %parallel_loop3A_123 : i32 to vector<16xi32>
        %parallel_loop3A_128 = arith.addi %parallel_loop3A_127, %parallel_loop3A_126 : vector<16xi32>
        %parallel_loop3A_129 = tpu.vector_load_idx %arg10[%parallel_loop3A_128] : memref<512xi32, #tpu.memory_space<vmem>>[vector<16xi32>], vector<16xi32>,
        %parallel_loop3A_130 = arith.constant 32 : i32
        %parallel_loop3A_131 = arith.muli %parallel_loop3A_121, %parallel_loop3A_130 : i32
        %parallel_loop3A_132 = arith.constant 2 : i32
        %parallel_loop3A_133 = vector.broadcast %parallel_loop3A_132 : i32 to vector<16xi32>
        %parallel_loop3A_134 = arith.muli %parallel_loop3A_133, %iota3A : vector<16xi32>
        %parallel_loop3A_135 = vector.broadcast %parallel_loop3A_131 : i32 to vector<16xi32>
        %parallel_loop3A_136 = arith.addi %parallel_loop3A_135, %parallel_loop3A_134 : vector<16xi32>
        %parallel_loop3A_137 = arith.constant 1 : i32
        %parallel_loop3A_138 = vector.broadcast %parallel_loop3A_137 : i32 to vector<16xi32>
        %parallel_loop3A_139 = arith.addi %parallel_loop3A_136, %parallel_loop3A_138 : vector<16xi32>
        %parallel_loop3A_140 = tpu.vector_load_idx %arg10[%parallel_loop3A_139] : memref<512xi32, #tpu.memory_space<vmem>>[vector<16xi32>], vector<16xi32>,
        %parallel_loop3A_141 = arith.constant 16 : i32
        %parallel_loop3A_142 = arith.muli %parallel_loop3A_121, %parallel_loop3A_141 : i32
        %parallel_loop3A_143 = arith.index_cast %parallel_loop3A_142 : i32 to index
        %parallel_loop3A_144 = tpu.vector_load %arg11[%parallel_loop3A_143] {strides = array<i32>} : memref<256xi32, #tpu.memory_space<vmem>>, vector<16xi32>,
        %parallel_loop3A_145 = arith.constant 0 : i32
        %parallel_loop3A_146 = arith.constant 95 : i32
        %parallel_loop3A_147 = vector.broadcast %parallel_loop3A_145 : i32 to vector<16xi32>
        %parallel_loop3A_148 = arith.maxsi %parallel_loop3A_147, %parallel_loop3A_140 : vector<16xi32>
        %parallel_loop3A_149 = vector.broadcast %parallel_loop3A_146 : i32 to vector<16xi32>
        %parallel_loop3A_150 = arith.minsi %parallel_loop3A_149, %parallel_loop3A_148 : vector<16xi32>
        %parallel_loop3A_151 = arith.constant 320 : i32
        %parallel_loop3A_152 = vector.broadcast %parallel_loop3A_151 : i32 to vector<16xi32>
        %parallel_loop3A_153 = arith.muli %parallel_loop3A_150, %parallel_loop3A_152 : vector<16xi32>
        %parallel_loop3A_154 = arith.constant 0 : i32
        %parallel_loop3A_155 = arith.constant 319 : i32
        %parallel_loop3A_156 = vector.broadcast %parallel_loop3A_154 : i32 to vector<16xi32>
        %parallel_loop3A_157 = arith.maxsi %parallel_loop3A_156, %parallel_loop3A_129 : vector<16xi32>
        %parallel_loop3A_158 = vector.broadcast %parallel_loop3A_155 : i32 to vector<16xi32>
        %parallel_loop3A_159 = arith.minsi %parallel_loop3A_158, %parallel_loop3A_157 : vector<16xi32>
        %parallel_loop3A_160 = arith.addi %parallel_loop3A_153, %parallel_loop3A_159 : vector<16xi32>
        %parallel_loop3A_161 = arith.constant 0 : i32
        %parallel_loop3A_162 = vector.broadcast %parallel_loop3A_161 : i32 to vector<16xi32>
        %parallel_loop3A_163 = arith.cmpi ne, %parallel_loop3A_144, %parallel_loop3A_162 : vector<16xi32>
        %parallel_loop3A_164 = arith.constant 30720 : i32
        %parallel_loop3A_165 = vector.broadcast %parallel_loop3A_164 : i32 to vector<16xi32>
        %parallel_loop3A_166 = arith.select %parallel_loop3A_163, %parallel_loop3A_160, %parallel_loop3A_165 : vector<16xi1>, vector<16xi32>
        %parallel_loop3A_167 = arith.constant 16 : i32
        %parallel_loop3A_168 = arith.muli %parallel_loop3A_121, %parallel_loop3A_167 : i32
        %parallel_loop3A_169 = arith.index_cast %parallel_loop3A_168 : i32 to index
        %parallel_loop3A_170 = tpu.vector_load %arg12[%parallel_loop3A_169] {strides = array<i32>} : memref<256xi32, #tpu.memory_space<vmem>>, vector<16xi32>,
        tpu.vector_store %arg12[%parallel_loop3A_169], %parallel_loop3A_166 {strides = array<i32>} : memref<256xi32, #tpu.memory_space<vmem>>, vector<16xi32>,
      } {sc.loop_unroll_factor = 4 : i64, sc.parallel_access}
      "tpu.region"() ({
        %run_scoped3A_121 = tpu.sem_alloc : memref<!tpu.dma_semaphore, #tpu.memory_space<semaphore_mem>>
        %dma_start3A_122 = tpu.memref_slice %arg6[%arg0, %add3A_116] : memref<2x262144xi32, #tpu.memory_space<hbm>> -> memref<1x256xi32, #tpu.memory_space<hbm>>
        %dma_start3A_123 = tpu.memref_squeeze %dma_start3A_122 : memref<1x256xi32, #tpu.memory_space<hbm>> -> memref<256xi32, #tpu.memory_space<hbm>>
        %dma_start3A_124 = tpu.memref_slice %arg6[%arg0, %add3A_116] : memref<2x262144xi32, #tpu.memory_space<hbm>> -> memref<1x256xi32, #tpu.memory_space<hbm>>
        %dma_start3A_125 = tpu.memref_squeeze %dma_start3A_124 : memref<1x256xi32, #tpu.memory_space<hbm>> -> memref<256xi32, #tpu.memory_space<hbm>>
        tpu.enqueue_dma source(%arg12 : memref<256xi32, #tpu.memory_space<vmem>>) target(%dma_start3A_125 : memref<256xi32, #tpu.memory_space<hbm>>) target_semaphore(%run_scoped3A_121 : memref<!tpu.dma_semaphore, #tpu.memory_space<semaphore_mem>>)
        %dma_wait3A_126 = tpu.memref_slice %arg6[%arg0, %add3A_116] : memref<2x262144xi32, #tpu.memory_space<hbm>> -> memref<1x256xi32, #tpu.memory_space<hbm>>
        %dma_wait3A_127 = tpu.memref_squeeze %dma_wait3A_126 : memref<1x256xi32, #tpu.memory_space<hbm>> -> memref<256xi32, #tpu.memory_space<hbm>>
        %dma_wait3A_128 = tpu.memref_slice %arg6[%arg0, %add3A_116] : memref<2x262144xi32, #tpu.memory_space<hbm>> -> memref<1x256xi32, #tpu.memory_space<hbm>>
        %dma_wait3A_129 = tpu.memref_squeeze %dma_wait3A_128 : memref<1x256xi32, #tpu.memory_space<hbm>> -> memref<256xi32, #tpu.memory_space<hbm>>
        tpu.wait_dma2 semaphore(%run_scoped3A_121 : memref<!tpu.dma_semaphore, #tpu.memory_space<semaphore_mem>>) src(%arg12 : memref<256xi32, #tpu.memory_space<vmem>>) dst(%dma_wait3A_129 : memref<256xi32, #tpu.memory_space<hbm>>)
        tpu.yield
      }) : () -> ()
    }
    %scan3A_5 = arith.constant 64 : i32
    %barrier3A = arith.constant 0 : index
    tpu.barrier barrier_id(%barrier3A)
    %mul3A_6 = arith.constant 4 : i32
    %mul3A_7 = arith.muli %mul3A_6, %add3A : i32
    %add3A_8 = arith.constant 0 : i32
    %add3A_9 = arith.addi %mul3A_7, %add3A_8 : i32
    %run_scoped3A = arith.constant 0 : i32
    "tpu.region"() ({
      %run_scoped3A_111 = tpu.sem_alloc : memref<!tpu.dma_semaphore, #tpu.memory_space<semaphore_mem>>
      %dma_start3A_112 = arith.constant 0 : i32
      %dma_start3A_113 = tpu.memref_slice %arg7[%run_scoped3A, %dma_start3A_112] : memref<4x30736xf32, #tpu.memory_space<vmem>> -> memref<1x30720xf32, #tpu.memory_space<vmem>>
      %dma_start3A_114 = tpu.memref_squeeze %dma_start3A_113 : memref<1x30720xf32, #tpu.memory_space<vmem>> -> memref<30720xf32, #tpu.memory_space<vmem>>
      %dma_start3A_115 = arith.constant 0 : i32
      %dma_start3A_116 = tpu.memref_slice %arg2[%add3A_9, %dma_start3A_115] : memref<128x30720xf32, #tpu.memory_space<hbm>> -> memref<1x30720xf32, #tpu.memory_space<hbm>>
      %dma_start3A_117 = tpu.memref_squeeze %dma_start3A_116 : memref<1x30720xf32, #tpu.memory_space<hbm>> -> memref<30720xf32, #tpu.memory_space<hbm>>
      %dma_start3A_118 = arith.constant 0 : i32
      %dma_start3A_119 = tpu.memref_slice %arg7[%run_scoped3A, %dma_start3A_118] : memref<4x30736xf32, #tpu.memory_space<vmem>> -> memref<1x30720xf32, #tpu.memory_space<vmem>>
      %dma_start3A_120 = tpu.memref_squeeze %dma_start3A_119 : memref<1x30720xf32, #tpu.memory_space<vmem>> -> memref<30720xf32, #tpu.memory_space<vmem>>
      %dma_start3A_121 = arith.constant 0 : i32
      %dma_start3A_122 = tpu.memref_slice %arg2[%add3A_9, %dma_start3A_121] : memref<128x30720xf32, #tpu.memory_space<hbm>> -> memref<1x30720xf32, #tpu.memory_space<hbm>>
      %dma_start3A_123 = tpu.memref_squeeze %dma_start3A_122 : memref<1x30720xf32, #tpu.memory_space<hbm>> -> memref<30720xf32, #tpu.memory_space<hbm>>
      tpu.enqueue_dma source(%dma_start3A_123 : memref<30720xf32, #tpu.memory_space<hbm>>) target(%dma_start3A_120 : memref<30720xf32, #tpu.memory_space<vmem>>) target_semaphore(%run_scoped3A_111 : memref<!tpu.dma_semaphore, #tpu.memory_space<semaphore_mem>>)
      %dma_wait3A_124 = arith.constant 0 : i32
      %dma_wait3A_125 = tpu.memref_slice %arg7[%run_scoped3A, %dma_wait3A_124] : memref<4x30736xf32, #tpu.memory_space<vmem>> -> memref<1x30720xf32, #tpu.memory_space<vmem>>
      %dma_wait3A_126 = tpu.memref_squeeze %dma_wait3A_125 : memref<1x30720xf32, #tpu.memory_space<vmem>> -> memref<30720xf32, #tpu.memory_space<vmem>>
      %dma_wait3A_127 = arith.constant 0 : i32
      %dma_wait3A_128 = tpu.memref_slice %arg2[%add3A_9, %dma_wait3A_127] : memref<128x30720xf32, #tpu.memory_space<hbm>> -> memref<1x30720xf32, #tpu.memory_space<hbm>>
      %dma_wait3A_129 = tpu.memref_squeeze %dma_wait3A_128 : memref<1x30720xf32, #tpu.memory_space<hbm>> -> memref<30720xf32, #tpu.memory_space<hbm>>
      %dma_wait3A_130 = arith.constant 0 : i32
      %dma_wait3A_131 = tpu.memref_slice %arg7[%run_scoped3A, %dma_wait3A_130] : memref<4x30736xf32, #tpu.memory_space<vmem>> -> memref<1x30720xf32, #tpu.memory_space<vmem>>
      %dma_wait3A_132 = tpu.memref_squeeze %dma_wait3A_131 : memref<1x30720xf32, #tpu.memory_space<vmem>> -> memref<30720xf32, #tpu.memory_space<vmem>>
      %dma_wait3A_133 = arith.constant 0 : i32
      %dma_wait3A_134 = tpu.memref_slice %arg2[%add3A_9, %dma_wait3A_133] : memref<128x30720xf32, #tpu.memory_space<hbm>> -> memref<1x30720xf32, #tpu.memory_space<hbm>>
      %dma_wait3A_135 = tpu.memref_squeeze %dma_wait3A_134 : memref<1x30720xf32, #tpu.memory_space<hbm>> -> memref<30720xf32, #tpu.memory_space<hbm>>
      tpu.wait_dma2 semaphore(%run_scoped3A_111 : memref<!tpu.dma_semaphore, #tpu.memory_space<semaphore_mem>>) src(%dma_wait3A_135 : memref<30720xf32, #tpu.memory_space<hbm>>) dst(%dma_wait3A_132 : memref<30720xf32, #tpu.memory_space<vmem>>)
      tpu.yield
    }) : () -> ()
    %broadcast_in_dim3A = arith.constant 0.000000e+00 : f32
    %broadcast_in_dim3A_10 = vector.broadcast %broadcast_in_dim3A : f32 to vector<16xf32>
    %swap3A = arith.constant 0 : i32
    %swap3A_11 = arith.index_cast %swap3A : i32 to index
    %swap3A_12 = arith.constant 30720 : index
    %swap3A_13 = tpu.vector_load %arg7[%swap3A_11, %swap3A_12] {strides = array<i32>} : memref<4x30736xf32, #tpu.memory_space<vmem>>, vector<16xf32>,
    tpu.vector_store %arg7[%swap3A_11, %swap3A_12], %broadcast_in_dim3A_10 {strides = array<i32>} : memref<4x30736xf32, #tpu.memory_space<vmem>>, vector<16xf32>,
    %mul3A_14 = arith.constant 4 : i32
    %mul3A_15 = arith.muli %mul3A_14, %add3A : i32
    %add3A_16 = arith.constant 1 : i32
    %add3A_17 = arith.addi %mul3A_15, %add3A_16 : i32
    %run_scoped3A_18 = arith.constant 1 : i32
    "tpu.region"() ({
      %run_scoped3A_111 = tpu.sem_alloc : memref<!tpu.dma_semaphore, #tpu.memory_space<semaphore_mem>>
      %dma_start3A_112 = arith.constant 0 : i32
      %dma_start3A_113 = tpu.memref_slice %arg7[%run_scoped3A_18, %dma_start3A_112] : memref<4x30736xf32, #tpu.memory_space<vmem>> -> memref<1x30720xf32, #tpu.memory_space<vmem>>
      %dma_start3A_114 = tpu.memref_squeeze %dma_start3A_113 : memref<1x30720xf32, #tpu.memory_space<vmem>> -> memref<30720xf32, #tpu.memory_space<vmem>>
      %dma_start3A_115 = arith.constant 0 : i32
      %dma_start3A_116 = tpu.memref_slice %arg2[%add3A_17, %dma_start3A_115] : memref<128x30720xf32, #tpu.memory_space<hbm>> -> memref<1x30720xf32, #tpu.memory_space<hbm>>
      %dma_start3A_117 = tpu.memref_squeeze %dma_start3A_116 : memref<1x30720xf32, #tpu.memory_space<hbm>> -> memref<30720xf32, #tpu.memory_space<hbm>>
      %dma_start3A_118 = arith.constant 0 : i32
      %dma_start3A_119 = tpu.memref_slice %arg7[%run_scoped3A_18, %dma_start3A_118] : memref<4x30736xf32, #tpu.memory_space<vmem>> -> memref<1x30720xf32, #tpu.memory_space<vmem>>
      %dma_start3A_120 = tpu.memref_squeeze %dma_start3A_119 : memref<1x30720xf32, #tpu.memory_space<vmem>> -> memref<30720xf32, #tpu.memory_space<vmem>>
      %dma_start3A_121 = arith.constant 0 : i32
      %dma_start3A_122 = tpu.memref_slice %arg2[%add3A_17, %dma_start3A_121] : memref<128x30720xf32, #tpu.memory_space<hbm>> -> memref<1x30720xf32, #tpu.memory_space<hbm>>
      %dma_start3A_123 = tpu.memref_squeeze %dma_start3A_122 : memref<1x30720xf32, #tpu.memory_space<hbm>> -> memref<30720xf32, #tpu.memory_space<hbm>>
      tpu.enqueue_dma source(%dma_start3A_123 : memref<30720xf32, #tpu.memory_space<hbm>>) target(%dma_start3A_120 : memref<30720xf32, #tpu.memory_space<vmem>>) target_semaphore(%run_scoped3A_111 : memref<!tpu.dma_semaphore, #tpu.memory_space<semaphore_mem>>)
      %dma_wait3A_124 = arith.constant 0 : i32
      %dma_wait3A_125 = tpu.memref_slice %arg7[%run_scoped3A_18, %dma_wait3A_124] : memref<4x30736xf32, #tpu.memory_space<vmem>> -> memref<1x30720xf32, #tpu.memory_space<vmem>>
      %dma_wait3A_126 = tpu.memref_squeeze %dma_wait3A_125 : memref<1x30720xf32, #tpu.memory_space<vmem>> -> memref<30720xf32, #tpu.memory_space<vmem>>
      %dma_wait3A_127 = arith.constant 0 : i32
      %dma_wait3A_128 = tpu.memref_slice %arg2[%add3A_17, %dma_wait3A_127] : memref<128x30720xf32, #tpu.memory_space<hbm>> -> memref<1x30720xf32, #tpu.memory_space<hbm>>
      %dma_wait3A_129 = tpu.memref_squeeze %dma_wait3A_128 : memref<1x30720xf32, #tpu.memory_space<hbm>> -> memref<30720xf32, #tpu.memory_space<hbm>>
      %dma_wait3A_130 = arith.constant 0 : i32
      %dma_wait3A_131 = tpu.memref_slice %arg7[%run_scoped3A_18, %dma_wait3A_130] : memref<4x30736xf32, #tpu.memory_space<vmem>> -> memref<1x30720xf32, #tpu.memory_space<vmem>>
      %dma_wait3A_132 = tpu.memref_squeeze %dma_wait3A_131 : memref<1x30720xf32, #tpu.memory_space<vmem>> -> memref<30720xf32, #tpu.memory_space<vmem>>
      %dma_wait3A_133 = arith.constant 0 : i32
      %dma_wait3A_134 = tpu.memref_slice %arg2[%add3A_17, %dma_wait3A_133] : memref<128x30720xf32, #tpu.memory_space<hbm>> -> memref<1x30720xf32, #tpu.memory_space<hbm>>
      %dma_wait3A_135 = tpu.memref_squeeze %dma_wait3A_134 : memref<1x30720xf32, #tpu.memory_space<hbm>> -> memref<30720xf32, #tpu.memory_space<hbm>>
      tpu.wait_dma2 semaphore(%run_scoped3A_111 : memref<!tpu.dma_semaphore, #tpu.memory_space<semaphore_mem>>) src(%dma_wait3A_135 : memref<30720xf32, #tpu.memory_space<hbm>>) dst(%dma_wait3A_132 : memref<30720xf32, #tpu.memory_space<vmem>>)
      tpu.yield
    }) : () -> ()
    %broadcast_in_dim3A_19 = arith.constant 0.000000e+00 : f32
    %broadcast_in_dim3A_20 = vector.broadcast %broadcast_in_dim3A_19 : f32 to vector<16xf32>
    %swap3A_21 = arith.constant 1 : i32
    %swap3A_22 = arith.index_cast %swap3A_21 : i32 to index
    %swap3A_23 = arith.constant 30720 : index
    %swap3A_24 = tpu.vector_load %arg7[%swap3A_22, %swap3A_23] {strides = array<i32>} : memref<4x30736xf32, #tpu.memory_space<vmem>>, vector<16xf32>,
    tpu.vector_store %arg7[%swap3A_22, %swap3A_23], %broadcast_in_dim3A_20 {strides = array<i32>} : memref<4x30736xf32, #tpu.memory_space<vmem>>, vector<16xf32>,
    %mul3A_25 = arith.constant 4 : i32
    %mul3A_26 = arith.muli %mul3A_25, %add3A : i32
    %add3A_27 = arith.constant 2 : i32
    %add3A_28 = arith.addi %mul3A_26, %add3A_27 : i32
    %run_scoped3A_29 = arith.constant 2 : i32
    "tpu.region"() ({
      %run_scoped3A_111 = tpu.sem_alloc : memref<!tpu.dma_semaphore, #tpu.memory_space<semaphore_mem>>
      %dma_start3A_112 = arith.constant 0 : i32
      %dma_start3A_113 = tpu.memref_slice %arg7[%run_scoped3A_29, %dma_start3A_112] : memref<4x30736xf32, #tpu.memory_space<vmem>> -> memref<1x30720xf32, #tpu.memory_space<vmem>>
      %dma_start3A_114 = tpu.memref_squeeze %dma_start3A_113 : memref<1x30720xf32, #tpu.memory_space<vmem>> -> memref<30720xf32, #tpu.memory_space<vmem>>
      %dma_start3A_115 = arith.constant 0 : i32
      %dma_start3A_116 = tpu.memref_slice %arg2[%add3A_28, %dma_start3A_115] : memref<128x30720xf32, #tpu.memory_space<hbm>> -> memref<1x30720xf32, #tpu.memory_space<hbm>>
      %dma_start3A_117 = tpu.memref_squeeze %dma_start3A_116 : memref<1x30720xf32, #tpu.memory_space<hbm>> -> memref<30720xf32, #tpu.memory_space<hbm>>
      %dma_start3A_118 = arith.constant 0 : i32
      %dma_start3A_119 = tpu.memref_slice %arg7[%run_scoped3A_29, %dma_start3A_118] : memref<4x30736xf32, #tpu.memory_space<vmem>> -> memref<1x30720xf32, #tpu.memory_space<vmem>>
      %dma_start3A_120 = tpu.memref_squeeze %dma_start3A_119 : memref<1x30720xf32, #tpu.memory_space<vmem>> -> memref<30720xf32, #tpu.memory_space<vmem>>
      %dma_start3A_121 = arith.constant 0 : i32
      %dma_start3A_122 = tpu.memref_slice %arg2[%add3A_28, %dma_start3A_121] : memref<128x30720xf32, #tpu.memory_space<hbm>> -> memref<1x30720xf32, #tpu.memory_space<hbm>>
      %dma_start3A_123 = tpu.memref_squeeze %dma_start3A_122 : memref<1x30720xf32, #tpu.memory_space<hbm>> -> memref<30720xf32, #tpu.memory_space<hbm>>
      tpu.enqueue_dma source(%dma_start3A_123 : memref<30720xf32, #tpu.memory_space<hbm>>) target(%dma_start3A_120 : memref<30720xf32, #tpu.memory_space<vmem>>) target_semaphore(%run_scoped3A_111 : memref<!tpu.dma_semaphore, #tpu.memory_space<semaphore_mem>>)
      %dma_wait3A_124 = arith.constant 0 : i32
      %dma_wait3A_125 = tpu.memref_slice %arg7[%run_scoped3A_29, %dma_wait3A_124] : memref<4x30736xf32, #tpu.memory_space<vmem>> -> memref<1x30720xf32, #tpu.memory_space<vmem>>
      %dma_wait3A_126 = tpu.memref_squeeze %dma_wait3A_125 : memref<1x30720xf32, #tpu.memory_space<vmem>> -> memref<30720xf32, #tpu.memory_space<vmem>>
      %dma_wait3A_127 = arith.constant 0 : i32
      %dma_wait3A_128 = tpu.memref_slice %arg2[%add3A_28, %dma_wait3A_127] : memref<128x30720xf32, #tpu.memory_space<hbm>> -> memref<1x30720xf32, #tpu.memory_space<hbm>>
      %dma_wait3A_129 = tpu.memref_squeeze %dma_wait3A_128 : memref<1x30720xf32, #tpu.memory_space<hbm>> -> memref<30720xf32, #tpu.memory_space<hbm>>
      %dma_wait3A_130 = arith.constant 0 : i32
      %dma_wait3A_131 = tpu.memref_slice %arg7[%run_scoped3A_29, %dma_wait3A_130] : memref<4x30736xf32, #tpu.memory_space<vmem>> -> memref<1x30720xf32, #tpu.memory_space<vmem>>
      %dma_wait3A_132 = tpu.memref_squeeze %dma_wait3A_131 : memref<1x30720xf32, #tpu.memory_space<vmem>> -> memref<30720xf32, #tpu.memory_space<vmem>>
      %dma_wait3A_133 = arith.constant 0 : i32
      %dma_wait3A_134 = tpu.memref_slice %arg2[%add3A_28, %dma_wait3A_133] : memref<128x30720xf32, #tpu.memory_space<hbm>> -> memref<1x30720xf32, #tpu.memory_space<hbm>>
      %dma_wait3A_135 = tpu.memref_squeeze %dma_wait3A_134 : memref<1x30720xf32, #tpu.memory_space<hbm>> -> memref<30720xf32, #tpu.memory_space<hbm>>
      tpu.wait_dma2 semaphore(%run_scoped3A_111 : memref<!tpu.dma_semaphore, #tpu.memory_space<semaphore_mem>>) src(%dma_wait3A_135 : memref<30720xf32, #tpu.memory_space<hbm>>) dst(%dma_wait3A_132 : memref<30720xf32, #tpu.memory_space<vmem>>)
      tpu.yield
    }) : () -> ()
    %broadcast_in_dim3A_30 = arith.constant 0.000000e+00 : f32
    %broadcast_in_dim3A_31 = vector.broadcast %broadcast_in_dim3A_30 : f32 to vector<16xf32>
    %swap3A_32 = arith.constant 2 : i32
    %swap3A_33 = arith.index_cast %swap3A_32 : i32 to index
    %swap3A_34 = arith.constant 30720 : index
    %swap3A_35 = tpu.vector_load %arg7[%swap3A_33, %swap3A_34] {strides = array<i32>} : memref<4x30736xf32, #tpu.memory_space<vmem>>, vector<16xf32>,
    tpu.vector_store %arg7[%swap3A_33, %swap3A_34], %broadcast_in_dim3A_31 {strides = array<i32>} : memref<4x30736xf32, #tpu.memory_space<vmem>>, vector<16xf32>,
    %mul3A_36 = arith.constant 4 : i32
    %mul3A_37 = arith.muli %mul3A_36, %add3A : i32
    %add3A_38 = arith.constant 3 : i32
    %add3A_39 = arith.addi %mul3A_37, %add3A_38 : i32
    %run_scoped3A_40 = arith.constant 3 : i32
    "tpu.region"() ({
      %run_scoped3A_111 = tpu.sem_alloc : memref<!tpu.dma_semaphore, #tpu.memory_space<semaphore_mem>>
      %dma_start3A_112 = arith.constant 0 : i32
      %dma_start3A_113 = tpu.memref_slice %arg7[%run_scoped3A_40, %dma_start3A_112] : memref<4x30736xf32, #tpu.memory_space<vmem>> -> memref<1x30720xf32, #tpu.memory_space<vmem>>
      %dma_start3A_114 = tpu.memref_squeeze %dma_start3A_113 : memref<1x30720xf32, #tpu.memory_space<vmem>> -> memref<30720xf32, #tpu.memory_space<vmem>>
      %dma_start3A_115 = arith.constant 0 : i32
      %dma_start3A_116 = tpu.memref_slice %arg2[%add3A_39, %dma_start3A_115] : memref<128x30720xf32, #tpu.memory_space<hbm>> -> memref<1x30720xf32, #tpu.memory_space<hbm>>
      %dma_start3A_117 = tpu.memref_squeeze %dma_start3A_116 : memref<1x30720xf32, #tpu.memory_space<hbm>> -> memref<30720xf32, #tpu.memory_space<hbm>>
      %dma_start3A_118 = arith.constant 0 : i32
      %dma_start3A_119 = tpu.memref_slice %arg7[%run_scoped3A_40, %dma_start3A_118] : memref<4x30736xf32, #tpu.memory_space<vmem>> -> memref<1x30720xf32, #tpu.memory_space<vmem>>
      %dma_start3A_120 = tpu.memref_squeeze %dma_start3A_119 : memref<1x30720xf32, #tpu.memory_space<vmem>> -> memref<30720xf32, #tpu.memory_space<vmem>>
      %dma_start3A_121 = arith.constant 0 : i32
      %dma_start3A_122 = tpu.memref_slice %arg2[%add3A_39, %dma_start3A_121] : memref<128x30720xf32, #tpu.memory_space<hbm>> -> memref<1x30720xf32, #tpu.memory_space<hbm>>
      %dma_start3A_123 = tpu.memref_squeeze %dma_start3A_122 : memref<1x30720xf32, #tpu.memory_space<hbm>> -> memref<30720xf32, #tpu.memory_space<hbm>>
      tpu.enqueue_dma source(%dma_start3A_123 : memref<30720xf32, #tpu.memory_space<hbm>>) target(%dma_start3A_120 : memref<30720xf32, #tpu.memory_space<vmem>>) target_semaphore(%run_scoped3A_111 : memref<!tpu.dma_semaphore, #tpu.memory_space<semaphore_mem>>)
      %dma_wait3A_124 = arith.constant 0 : i32
      %dma_wait3A_125 = tpu.memref_slice %arg7[%run_scoped3A_40, %dma_wait3A_124] : memref<4x30736xf32, #tpu.memory_space<vmem>> -> memref<1x30720xf32, #tpu.memory_space<vmem>>
      %dma_wait3A_126 = tpu.memref_squeeze %dma_wait3A_125 : memref<1x30720xf32, #tpu.memory_space<vmem>> -> memref<30720xf32, #tpu.memory_space<vmem>>
      %dma_wait3A_127 = arith.constant 0 : i32
      %dma_wait3A_128 = tpu.memref_slice %arg2[%add3A_39, %dma_wait3A_127] : memref<128x30720xf32, #tpu.memory_space<hbm>> -> memref<1x30720xf32, #tpu.memory_space<hbm>>
      %dma_wait3A_129 = tpu.memref_squeeze %dma_wait3A_128 : memref<1x30720xf32, #tpu.memory_space<hbm>> -> memref<30720xf32, #tpu.memory_space<hbm>>
      %dma_wait3A_130 = arith.constant 0 : i32
      %dma_wait3A_131 = tpu.memref_slice %arg7[%run_scoped3A_40, %dma_wait3A_130] : memref<4x30736xf32, #tpu.memory_space<vmem>> -> memref<1x30720xf32, #tpu.memory_space<vmem>>
      %dma_wait3A_132 = tpu.memref_squeeze %dma_wait3A_131 : memref<1x30720xf32, #tpu.memory_space<vmem>> -> memref<30720xf32, #tpu.memory_space<vmem>>
      %dma_wait3A_133 = arith.constant 0 : i32
      %dma_wait3A_134 = tpu.memref_slice %arg2[%add3A_39, %dma_wait3A_133] : memref<128x30720xf32, #tpu.memory_space<hbm>> -> memref<1x30720xf32, #tpu.memory_space<hbm>>
      %dma_wait3A_135 = tpu.memref_squeeze %dma_wait3A_134 : memref<1x30720xf32, #tpu.memory_space<hbm>> -> memref<30720xf32, #tpu.memory_space<hbm>>
      tpu.wait_dma2 semaphore(%run_scoped3A_111 : memref<!tpu.dma_semaphore, #tpu.memory_space<semaphore_mem>>) src(%dma_wait3A_135 : memref<30720xf32, #tpu.memory_space<hbm>>) dst(%dma_wait3A_132 : memref<30720xf32, #tpu.memory_space<vmem>>)
      tpu.yield
    }) : () -> ()
    %broadcast_in_dim3A_41 = arith.constant 0.000000e+00 : f32
    %broadcast_in_dim3A_42 = vector.broadcast %broadcast_in_dim3A_41 : f32 to vector<16xf32>
    %swap3A_43 = arith.constant 3 : i32
    %swap3A_44 = arith.index_cast %swap3A_43 : i32 to index
    %swap3A_45 = arith.constant 30720 : index
    %swap3A_46 = tpu.vector_load %arg7[%swap3A_44, %swap3A_45] {strides = array<i32>} : memref<4x30736xf32, #tpu.memory_space<vmem>>, vector<16xf32>,
    tpu.vector_store %arg7[%swap3A_44, %swap3A_45], %broadcast_in_dim3A_42 {strides = array<i32>} : memref<4x30736xf32, #tpu.memory_space<vmem>>, vector<16xf32>,
    %broadcast_in_dim3A_47 = arith.constant 0 : i32
    %broadcast_in_dim3A_48 = vector.broadcast %broadcast_in_dim3A_47 : i32 to vector<16xi32>
    %broadcast_in_dim3A_49 = arith.constant 1 : i32
    %broadcast_in_dim3A_50 = vector.broadcast %broadcast_in_dim3A_49 : i32 to vector<16xi32>
    %broadcast_in_dim3A_51 = arith.constant 2 : i32
    %broadcast_in_dim3A_52 = vector.broadcast %broadcast_in_dim3A_51 : i32 to vector<16xi32>
    %broadcast_in_dim3A_53 = arith.constant 3 : i32
    %broadcast_in_dim3A_54 = vector.broadcast %broadcast_in_dim3A_53 : i32 to vector<16xi32>
    %dma_start3A = arith.constant 0 : i32
    %dma_start3A_55 = arith.constant 0 : i32
    %dma_start3A_56 = arith.constant 0 : i32
    %dma_start3A_57 = tpu.memref_slice %arg8[%dma_start3A, %dma_start3A_56] : memref<2x512xi32, #tpu.memory_space<vmem>> -> memref<1x512xi32, #tpu.memory_space<vmem>>
    %dma_start3A_58 = tpu.memref_squeeze %dma_start3A_57 : memref<1x512xi32, #tpu.memory_space<vmem>> -> memref<512xi32, #tpu.memory_space<vmem>>
    %dma_start3A_59 = arith.constant 0 : i32
    %dma_start3A_60 = tpu.memref_slice %arg6[%arg0, %dma_start3A_59] : memref<2x262144xi32, #tpu.memory_space<hbm>> -> memref<1x512xi32, #tpu.memory_space<hbm>>
    %dma_start3A_61 = tpu.memref_squeeze %dma_start3A_60 : memref<1x512xi32, #tpu.memory_space<hbm>> -> memref<512xi32, #tpu.memory_space<hbm>>
    %dma_start3A_62 = tpu.memref_slice %arg13[%dma_start3A_55] : memref<2x!tpu.dma_semaphore, #tpu.memory_space<semaphore_mem>> -> memref<1x!tpu.dma_semaphore, #tpu.memory_space<semaphore_mem>>
    %dma_start3A_63 = tpu.memref_squeeze %dma_start3A_62 : memref<1x!tpu.dma_semaphore, #tpu.memory_space<semaphore_mem>> -> memref<!tpu.dma_semaphore, #tpu.memory_space<semaphore_mem>>
    %dma_start3A_64 = arith.constant 0 : i32
    %dma_start3A_65 = tpu.memref_slice %arg8[%dma_start3A, %dma_start3A_64] : memref<2x512xi32, #tpu.memory_space<vmem>> -> memref<1x512xi32, #tpu.memory_space<vmem>>
    %dma_start3A_66 = tpu.memref_squeeze %dma_start3A_65 : memref<1x512xi32, #tpu.memory_space<vmem>> -> memref<512xi32, #tpu.memory_space<vmem>>
    %dma_start3A_67 = arith.constant 0 : i32
    %dma_start3A_68 = tpu.memref_slice %arg6[%arg0, %dma_start3A_67] : memref<2x262144xi32, #tpu.memory_space<hbm>> -> memref<1x512xi32, #tpu.memory_space<hbm>>
    %dma_start3A_69 = tpu.memref_squeeze %dma_start3A_68 : memref<1x512xi32, #tpu.memory_space<hbm>> -> memref<512xi32, #tpu.memory_space<hbm>>
    tpu.enqueue_dma source(%dma_start3A_69 : memref<512xi32, #tpu.memory_space<hbm>>) target(%dma_start3A_66 : memref<512xi32, #tpu.memory_space<vmem>>) target_semaphore(%dma_start3A_63 : memref<!tpu.dma_semaphore, #tpu.memory_space<semaphore_mem>>)
    %scan3A_70 = arith.constant 0 : i32
    %scan3A_71 = arith.constant 0 : i32
    %scan3A_72 = arith.constant 256 : i32
    %scan3A_73 = arith.addi %scan3A_71, %scan3A_72 : i32
    %scan3A_74 = arith.constant 1 : i32
    scf.for %scan3A_111 = %scan3A_71 to %scan3A_73 step %scan3A_74  : i32 {
      %mul3A_112 = arith.constant 2 : i32
      %mul3A_113 = arith.muli %scan3A_111, %mul3A_112 : i32
      %add3A_114 = arith.constant 0 : i32
      %add3A_115 = arith.addi %mul3A_113, %add3A_114 : i32
      %add3A_116 = arith.constant 1 : i32
      %add3A_117 = arith.addi %add3A_115, %add3A_116 : i32
      %lt3A = arith.constant 512 : i32
      %lt3A_118 = arith.cmpi slt, %add3A_117, %lt3A : i32
      %convert_element_type3A = arith.extui %lt3A_118 : i1 to i32
      %cond3A = arith.constant 0 : i32
      %cond3A_119 = arith.cmpi ne, %convert_element_type3A, %cond3A : i32
      scf.if %cond3A_119 {
        %add3A_211 = arith.constant 1 : i32
        %add3A_212 = arith.addi %add3A_115, %add3A_211 : i32
        %mul3A_213 = arith.constant 512 : i32
        %mul3A_214 = arith.muli %add3A_212, %mul3A_213 : i32
        %dma_start3A_215 = arith.constant 1 : i32
        %dma_start3A_216 = arith.constant 1 : i32
        %dma_start3A_217 = arith.constant 0 : i32
        %dma_start3A_218 = tpu.memref_slice %arg8[%dma_start3A_215, %dma_start3A_217] : memref<2x512xi32, #tpu.memory_space<vmem>> -> memref<1x512xi32, #tpu.memory_space<vmem>>
        %dma_start3A_219 = tpu.memref_squeeze %dma_start3A_218 : memref<1x512xi32, #tpu.memory_space<vmem>> -> memref<512xi32, #tpu.memory_space<vmem>>
        %dma_start3A_220 = tpu.memref_slice %arg6[%arg0, %mul3A_214] : memref<2x262144xi32, #tpu.memory_space<hbm>> -> memref<1x512xi32, #tpu.memory_space<hbm>>
        %dma_start3A_221 = tpu.memref_squeeze %dma_start3A_220 : memref<1x512xi32, #tpu.memory_space<hbm>> -> memref<512xi32, #tpu.memory_space<hbm>>
        %dma_start3A_222 = tpu.memref_slice %arg13[%dma_start3A_216] : memref<2x!tpu.dma_semaphore, #tpu.memory_space<semaphore_mem>> -> memref<1x!tpu.dma_semaphore, #tpu.memory_space<semaphore_mem>>
        %dma_start3A_223 = tpu.memref_squeeze %dma_start3A_222 : memref<1x!tpu.dma_semaphore, #tpu.memory_space<semaphore_mem>> -> memref<!tpu.dma_semaphore, #tpu.memory_space<semaphore_mem>>
        %dma_start3A_224 = arith.constant 0 : i32
        %dma_start3A_225 = tpu.memref_slice %arg8[%dma_start3A_215, %dma_start3A_224] : memref<2x512xi32, #tpu.memory_space<vmem>> -> memref<1x512xi32, #tpu.memory_space<vmem>>
        %dma_start3A_226 = tpu.memref_squeeze %dma_start3A_225 : memref<1x512xi32, #tpu.memory_space<vmem>> -> memref<512xi32, #tpu.memory_space<vmem>>
        %dma_start3A_227 = tpu.memref_slice %arg6[%arg0, %mul3A_214] : memref<2x262144xi32, #tpu.memory_space<hbm>> -> memref<1x512xi32, #tpu.memory_space<hbm>>
        %dma_start3A_228 = tpu.memref_squeeze %dma_start3A_227 : memref<1x512xi32, #tpu.memory_space<hbm>> -> memref<512xi32, #tpu.memory_space<hbm>>
        tpu.enqueue_dma source(%dma_start3A_228 : memref<512xi32, #tpu.memory_space<hbm>>) target(%dma_start3A_226 : memref<512xi32, #tpu.memory_space<vmem>>) target_semaphore(%dma_start3A_223 : memref<!tpu.dma_semaphore, #tpu.memory_space<semaphore_mem>>)
      } else {
      }
      %mul3A_120 = arith.constant 512 : i32
      %mul3A_121 = arith.muli %add3A_115, %mul3A_120 : i32
      %dma_wait3A_122 = arith.constant 0 : i32
      %dma_wait3A_123 = arith.constant 0 : i32
      %dma_wait3A_124 = arith.constant 0 : i32
      %dma_wait3A_125 = tpu.memref_slice %arg8[%dma_wait3A_122, %dma_wait3A_124] : memref<2x512xi32, #tpu.memory_space<vmem>> -> memref<1x512xi32, #tpu.memory_space<vmem>>
      %dma_wait3A_126 = tpu.memref_squeeze %dma_wait3A_125 : memref<1x512xi32, #tpu.memory_space<vmem>> -> memref<512xi32, #tpu.memory_space<vmem>>
      %dma_wait3A_127 = tpu.memref_slice %arg6[%arg0, %mul3A_121] : memref<2x262144xi32, #tpu.memory_space<hbm>> -> memref<1x512xi32, #tpu.memory_space<hbm>>
      %dma_wait3A_128 = tpu.memref_squeeze %dma_wait3A_127 : memref<1x512xi32, #tpu.memory_space<hbm>> -> memref<512xi32, #tpu.memory_space<hbm>>
      %dma_wait3A_129 = tpu.memref_slice %arg13[%dma_wait3A_123] : memref<2x!tpu.dma_semaphore, #tpu.memory_space<semaphore_mem>> -> memref<1x!tpu.dma_semaphore, #tpu.memory_space<semaphore_mem>>
      %dma_wait3A_130 = tpu.memref_squeeze %dma_wait3A_129 : memref<1x!tpu.dma_semaphore, #tpu.memory_space<semaphore_mem>> -> memref<!tpu.dma_semaphore, #tpu.memory_space<semaphore_mem>>
      %dma_wait3A_131 = arith.constant 0 : i32
      %dma_wait3A_132 = tpu.memref_slice %arg8[%dma_wait3A_122, %dma_wait3A_131] : memref<2x512xi32, #tpu.memory_space<vmem>> -> memref<1x512xi32, #tpu.memory_space<vmem>>
      %dma_wait3A_133 = tpu.memref_squeeze %dma_wait3A_132 : memref<1x512xi32, #tpu.memory_space<vmem>> -> memref<512xi32, #tpu.memory_space<vmem>>
      %dma_wait3A_134 = tpu.memref_slice %arg6[%arg0, %mul3A_121] : memref<2x262144xi32, #tpu.memory_space<hbm>> -> memref<1x512xi32, #tpu.memory_space<hbm>>
      %dma_wait3A_135 = tpu.memref_squeeze %dma_wait3A_134 : memref<1x512xi32, #tpu.memory_space<hbm>> -> memref<512xi32, #tpu.memory_space<hbm>>
      tpu.wait_dma2 semaphore(%dma_wait3A_130 : memref<!tpu.dma_semaphore, #tpu.memory_space<semaphore_mem>>) src(%dma_wait3A_135 : memref<512xi32, #tpu.memory_space<hbm>>) dst(%dma_wait3A_133 : memref<512xi32, #tpu.memory_space<vmem>>)
      %ge3A = arith.constant 2 : i32
      %ge3A_136 = arith.cmpi sge, %add3A_115, %ge3A : i32
      %convert_element_type3A_137 = arith.extui %ge3A_136 : i1 to i32
      %cond3A_138 = arith.constant 0 : i32
      %cond3A_139 = arith.cmpi ne, %convert_element_type3A_137, %cond3A_138 : i32
      scf.if %cond3A_139 {
        %sub3A = arith.constant 2 : i32
        %sub3A_211 = arith.subi %add3A_115, %sub3A : i32
        %mul3A_212 = arith.constant 4 : i32
        %mul3A_213 = arith.muli %mul3A_212, %add3A : i32
        %mul3A_214 = arith.constant 512 : i32
        %mul3A_215 = arith.muli %sub3A_211, %mul3A_214 : i32
        %dma_wait3A_216 = arith.constant 0 : i32
        %dma_wait3A_217 = arith.constant 0 : i32
        %dma_wait3A_218 = arith.constant 0 : i32
        %dma_wait3A_219 = arith.constant 0 : i32
        %dma_wait3A_220 = tpu.memref_slice %arg9[%dma_wait3A_216, %dma_wait3A_218, %dma_wait3A_219] : memref<2x4x512xf32, #tpu.memory_space<vmem>> -> memref<1x4x512xf32, #tpu.memory_space<vmem>>
        %dma_wait3A_221 = tpu.memref_squeeze %dma_wait3A_220 : memref<1x4x512xf32, #tpu.memory_space<vmem>> -> memref<4x512xf32, #tpu.memory_space<vmem>>
        %dma_wait3A_222 = tpu.memref_slice %arg5[%mul3A_213, %mul3A_215] : memref<128x262144xf32, #tpu.memory_space<hbm>> -> memref<4x512xf32, #tpu.memory_space<hbm>>
        %dma_wait3A_223 = tpu.memref_slice %arg14[%dma_wait3A_217] : memref<2x!tpu.dma_semaphore, #tpu.memory_space<semaphore_mem>> -> memref<1x!tpu.dma_semaphore, #tpu.memory_space<semaphore_mem>>
        %dma_wait3A_224 = tpu.memref_squeeze %dma_wait3A_223 : memref<1x!tpu.dma_semaphore, #tpu.memory_space<semaphore_mem>> -> memref<!tpu.dma_semaphore, #tpu.memory_space<semaphore_mem>>
        %dma_wait3A_225 = tpu.memref_slice %arg5[%mul3A_213, %mul3A_215] : memref<128x262144xf32, #tpu.memory_space<hbm>> -> memref<4x512xf32, #tpu.memory_space<hbm>>
        %dma_wait3A_226 = arith.constant 0 : i32
        %dma_wait3A_227 = arith.constant 0 : i32
        %dma_wait3A_228 = tpu.memref_slice %arg9[%dma_wait3A_216, %dma_wait3A_226, %dma_wait3A_227] : memref<2x4x512xf32, #tpu.memory_space<vmem>> -> memref<1x4x512xf32, #tpu.memory_space<vmem>>
        %dma_wait3A_229 = tpu.memref_squeeze %dma_wait3A_228 : memref<1x4x512xf32, #tpu.memory_space<vmem>> -> memref<4x512xf32, #tpu.memory_space<vmem>>
        tpu.wait_dma2 semaphore(%dma_wait3A_224 : memref<!tpu.dma_semaphore, #tpu.memory_space<semaphore_mem>>) src(%dma_wait3A_229 : memref<4x512xf32, #tpu.memory_space<vmem>>) dst(%dma_wait3A_225 : memref<4x512xf32, #tpu.memory_space<hbm>>)
      } else {
      }
      %parallel_loop3A = arith.constant 0 : i32
      %parallel_loop3A_140 = arith.constant 32 : i32
      %parallel_loop3A_141 = arith.constant 1 : i32
      scf.for %parallel_loop3A_211 = %parallel_loop3A to %parallel_loop3A_140 step %parallel_loop3A_141  : i32 {
        %parallel_loop3A_212 = arith.constant 16 : i32
        %parallel_loop3A_213 = arith.muli %parallel_loop3A_211, %parallel_loop3A_212 : i32
        %parallel_loop3A_214 = arith.constant 0 : i32
        %parallel_loop3A_215 = arith.index_cast %parallel_loop3A_214 : i32 to index
        %parallel_loop3A_216 = arith.index_cast %parallel_loop3A_213 : i32 to index
        %parallel_loop3A_217 = tpu.vector_load %arg8[%parallel_loop3A_215, %parallel_loop3A_216] {strides = array<i32>} : memref<2x512xi32, #tpu.memory_space<vmem>>, vector<16xi32>,
        %parallel_loop3A_218 = tpu.vector_load_idx %arg7[%broadcast_in_dim3A_48, %parallel_loop3A_217] : memref<4x30736xf32, #tpu.memory_space<vmem>>[vector<16xi32>, vector<16xi32>], vector<16xf32>,
        %parallel_loop3A_219 = arith.constant 16 : i32
        %parallel_loop3A_220 = arith.muli %parallel_loop3A_211, %parallel_loop3A_219 : i32
        %parallel_loop3A_221 = arith.constant 0 : i32
        %parallel_loop3A_222 = arith.constant 0 : i32
        %parallel_loop3A_223 = arith.index_cast %parallel_loop3A_221 : i32 to index
        %parallel_loop3A_224 = arith.index_cast %parallel_loop3A_222 : i32 to index
        %parallel_loop3A_225 = arith.index_cast %parallel_loop3A_220 : i32 to index
        %parallel_loop3A_226 = tpu.vector_load %arg9[%parallel_loop3A_223, %parallel_loop3A_224, %parallel_loop3A_225] {strides = array<i32>} : memref<2x4x512xf32, #tpu.memory_space<vmem>>, vector<16xf32>,
        tpu.vector_store %arg9[%parallel_loop3A_223, %parallel_loop3A_224, %parallel_loop3A_225], %parallel_loop3A_218 {strides = array<i32>} : memref<2x4x512xf32, #tpu.memory_space<vmem>>, vector<16xf32>,
        %parallel_loop3A_227 = tpu.vector_load_idx %arg7[%broadcast_in_dim3A_50, %parallel_loop3A_217] : memref<4x30736xf32, #tpu.memory_space<vmem>>[vector<16xi32>, vector<16xi32>], vector<16xf32>,
        %parallel_loop3A_228 = arith.constant 16 : i32
        %parallel_loop3A_229 = arith.muli %parallel_loop3A_211, %parallel_loop3A_228 : i32
        %parallel_loop3A_230 = arith.constant 0 : i32
        %parallel_loop3A_231 = arith.constant 1 : i32
        %parallel_loop3A_232 = arith.index_cast %parallel_loop3A_230 : i32 to index
        %parallel_loop3A_233 = arith.index_cast %parallel_loop3A_231 : i32 to index
        %parallel_loop3A_234 = arith.index_cast %parallel_loop3A_229 : i32 to index
        %parallel_loop3A_235 = tpu.vector_load %arg9[%parallel_loop3A_232, %parallel_loop3A_233, %parallel_loop3A_234] {strides = array<i32>} : memref<2x4x512xf32, #tpu.memory_space<vmem>>, vector<16xf32>,
        tpu.vector_store %arg9[%parallel_loop3A_232, %parallel_loop3A_233, %parallel_loop3A_234], %parallel_loop3A_227 {strides = array<i32>} : memref<2x4x512xf32, #tpu.memory_space<vmem>>, vector<16xf32>,
        %parallel_loop3A_236 = tpu.vector_load_idx %arg7[%broadcast_in_dim3A_52, %parallel_loop3A_217] : memref<4x30736xf32, #tpu.memory_space<vmem>>[vector<16xi32>, vector<16xi32>], vector<16xf32>,
        %parallel_loop3A_237 = arith.constant 16 : i32
        %parallel_loop3A_238 = arith.muli %parallel_loop3A_211, %parallel_loop3A_237 : i32
        %parallel_loop3A_239 = arith.constant 0 : i32
        %parallel_loop3A_240 = arith.constant 2 : i32
        %parallel_loop3A_241 = arith.index_cast %parallel_loop3A_239 : i32 to index
        %parallel_loop3A_242 = arith.index_cast %parallel_loop3A_240 : i32 to index
        %parallel_loop3A_243 = arith.index_cast %parallel_loop3A_238 : i32 to index
        %parallel_loop3A_244 = tpu.vector_load %arg9[%parallel_loop3A_241, %parallel_loop3A_242, %parallel_loop3A_243] {strides = array<i32>} : memref<2x4x512xf32, #tpu.memory_space<vmem>>, vector<16xf32>,
        tpu.vector_store %arg9[%parallel_loop3A_241, %parallel_loop3A_242, %parallel_loop3A_243], %parallel_loop3A_236 {strides = array<i32>} : memref<2x4x512xf32, #tpu.memory_space<vmem>>, vector<16xf32>,
        %parallel_loop3A_245 = tpu.vector_load_idx %arg7[%broadcast_in_dim3A_54, %parallel_loop3A_217] : memref<4x30736xf32, #tpu.memory_space<vmem>>[vector<16xi32>, vector<16xi32>], vector<16xf32>,
        %parallel_loop3A_246 = arith.constant 16 : i32
        %parallel_loop3A_247 = arith.muli %parallel_loop3A_211, %parallel_loop3A_246 : i32
        %parallel_loop3A_248 = arith.constant 0 : i32
        %parallel_loop3A_249 = arith.constant 3 : i32
        %parallel_loop3A_250 = arith.index_cast %parallel_loop3A_248 : i32 to index
        %parallel_loop3A_251 = arith.index_cast %parallel_loop3A_249 : i32 to index
        %parallel_loop3A_252 = arith.index_cast %parallel_loop3A_247 : i32 to index
        %parallel_loop3A_253 = tpu.vector_load %arg9[%parallel_loop3A_250, %parallel_loop3A_251, %parallel_loop3A_252] {strides = array<i32>} : memref<2x4x512xf32, #tpu.memory_space<vmem>>, vector<16xf32>,
        tpu.vector_store %arg9[%parallel_loop3A_250, %parallel_loop3A_251, %parallel_loop3A_252], %parallel_loop3A_245 {strides = array<i32>} : memref<2x4x512xf32, #tpu.memory_space<vmem>>, vector<16xf32>,
      } {sc.loop_unroll_factor = 4 : i64, sc.parallel_access}
      %mul3A_142 = arith.constant 4 : i32
      %mul3A_143 = arith.muli %mul3A_142, %add3A : i32
      %mul3A_144 = arith.constant 512 : i32
      %mul3A_145 = arith.muli %add3A_115, %mul3A_144 : i32
      %dma_start3A_146 = arith.constant 0 : i32
      %dma_start3A_147 = arith.constant 0 : i32
      %dma_start3A_148 = arith.constant 0 : i32
      %dma_start3A_149 = arith.constant 0 : i32
      %dma_start3A_150 = tpu.memref_slice %arg9[%dma_start3A_146, %dma_start3A_148, %dma_start3A_149] : memref<2x4x512xf32, #tpu.memory_space<vmem>> -> memref<1x4x512xf32, #tpu.memory_space<vmem>>
      %dma_start3A_151 = tpu.memref_squeeze %dma_start3A_150 : memref<1x4x512xf32, #tpu.memory_space<vmem>> -> memref<4x512xf32, #tpu.memory_space<vmem>>
      %dma_start3A_152 = tpu.memref_slice %arg5[%mul3A_143, %mul3A_145] : memref<128x262144xf32, #tpu.memory_space<hbm>> -> memref<4x512xf32, #tpu.memory_space<hbm>>
      %dma_start3A_153 = tpu.memref_slice %arg14[%dma_start3A_147] : memref<2x!tpu.dma_semaphore, #tpu.memory_space<semaphore_mem>> -> memref<1x!tpu.dma_semaphore, #tpu.memory_space<semaphore_mem>>
      %dma_start3A_154 = tpu.memref_squeeze %dma_start3A_153 : memref<1x!tpu.dma_semaphore, #tpu.memory_space<semaphore_mem>> -> memref<!tpu.dma_semaphore, #tpu.memory_space<semaphore_mem>>
      %dma_start3A_155 = tpu.memref_slice %arg5[%mul3A_143, %mul3A_145] : memref<128x262144xf32, #tpu.memory_space<hbm>> -> memref<4x512xf32, #tpu.memory_space<hbm>>
      %dma_start3A_156 = arith.constant 0 : i32
      %dma_start3A_157 = arith.constant 0 : i32
      %dma_start3A_158 = tpu.memref_slice %arg9[%dma_start3A_146, %dma_start3A_156, %dma_start3A_157] : memref<2x4x512xf32, #tpu.memory_space<vmem>> -> memref<1x4x512xf32, #tpu.memory_space<vmem>>
      %dma_start3A_159 = tpu.memref_squeeze %dma_start3A_158 : memref<1x4x512xf32, #tpu.memory_space<vmem>> -> memref<4x512xf32, #tpu.memory_space<vmem>>
      tpu.enqueue_dma source(%dma_start3A_159 : memref<4x512xf32, #tpu.memory_space<vmem>>) target(%dma_start3A_155 : memref<4x512xf32, #tpu.memory_space<hbm>>) target_semaphore(%dma_start3A_154 : memref<!tpu.dma_semaphore, #tpu.memory_space<semaphore_mem>>)
      %add3A_160 = arith.constant 1 : i32
      %add3A_161 = arith.addi %mul3A_113, %add3A_160 : i32
      %add3A_162 = arith.constant 1 : i32
      %add3A_163 = arith.addi %add3A_161, %add3A_162 : i32
      %lt3A_164 = arith.constant 512 : i32
      %lt3A_165 = arith.cmpi slt, %add3A_163, %lt3A_164 : i32
      %convert_element_type3A_166 = arith.extui %lt3A_165 : i1 to i32
      %cond3A_167 = arith.constant 0 : i32
      %cond3A_168 = arith.cmpi ne, %convert_element_type3A_166, %cond3A_167 : i32
      scf.if %cond3A_168 {
        %add3A_211 = arith.constant 1 : i32
        %add3A_212 = arith.addi %add3A_161, %add3A_211 : i32
        %mul3A_213 = arith.constant 512 : i32
        %mul3A_214 = arith.muli %add3A_212, %mul3A_213 : i32
        %dma_start3A_215 = arith.constant 0 : i32
        %dma_start3A_216 = arith.constant 0 : i32
        %dma_start3A_217 = arith.constant 0 : i32
        %dma_start3A_218 = tpu.memref_slice %arg8[%dma_start3A_215, %dma_start3A_217] : memref<2x512xi32, #tpu.memory_space<vmem>> -> memref<1x512xi32, #tpu.memory_space<vmem>>
        %dma_start3A_219 = tpu.memref_squeeze %dma_start3A_218 : memref<1x512xi32, #tpu.memory_space<vmem>> -> memref<512xi32, #tpu.memory_space<vmem>>
        %dma_start3A_220 = tpu.memref_slice %arg6[%arg0, %mul3A_214] : memref<2x262144xi32, #tpu.memory_space<hbm>> -> memref<1x512xi32, #tpu.memory_space<hbm>>
        %dma_start3A_221 = tpu.memref_squeeze %dma_start3A_220 : memref<1x512xi32, #tpu.memory_space<hbm>> -> memref<512xi32, #tpu.memory_space<hbm>>
        %dma_start3A_222 = tpu.memref_slice %arg13[%dma_start3A_216] : memref<2x!tpu.dma_semaphore, #tpu.memory_space<semaphore_mem>> -> memref<1x!tpu.dma_semaphore, #tpu.memory_space<semaphore_mem>>
        %dma_start3A_223 = tpu.memref_squeeze %dma_start3A_222 : memref<1x!tpu.dma_semaphore, #tpu.memory_space<semaphore_mem>> -> memref<!tpu.dma_semaphore, #tpu.memory_space<semaphore_mem>>
        %dma_start3A_224 = arith.constant 0 : i32
        %dma_start3A_225 = tpu.memref_slice %arg8[%dma_start3A_215, %dma_start3A_224] : memref<2x512xi32, #tpu.memory_space<vmem>> -> memref<1x512xi32, #tpu.memory_space<vmem>>
        %dma_start3A_226 = tpu.memref_squeeze %dma_start3A_225 : memref<1x512xi32, #tpu.memory_space<vmem>> -> memref<512xi32, #tpu.memory_space<vmem>>
        %dma_start3A_227 = tpu.memref_slice %arg6[%arg0, %mul3A_214] : memref<2x262144xi32, #tpu.memory_space<hbm>> -> memref<1x512xi32, #tpu.memory_space<hbm>>
        %dma_start3A_228 = tpu.memref_squeeze %dma_start3A_227 : memref<1x512xi32, #tpu.memory_space<hbm>> -> memref<512xi32, #tpu.memory_space<hbm>>
        tpu.enqueue_dma source(%dma_start3A_228 : memref<512xi32, #tpu.memory_space<hbm>>) target(%dma_start3A_226 : memref<512xi32, #tpu.memory_space<vmem>>) target_semaphore(%dma_start3A_223 : memref<!tpu.dma_semaphore, #tpu.memory_space<semaphore_mem>>)
      } else {
      }
      %mul3A_169 = arith.constant 512 : i32
      %mul3A_170 = arith.muli %add3A_161, %mul3A_169 : i32
      %dma_wait3A_171 = arith.constant 1 : i32
      %dma_wait3A_172 = arith.constant 1 : i32
      %dma_wait3A_173 = arith.constant 0 : i32
      %dma_wait3A_174 = tpu.memref_slice %arg8[%dma_wait3A_171, %dma_wait3A_173] : memref<2x512xi32, #tpu.memory_space<vmem>> -> memref<1x512xi32, #tpu.memory_space<vmem>>
      %dma_wait3A_175 = tpu.memref_squeeze %dma_wait3A_174 : memref<1x512xi32, #tpu.memory_space<vmem>> -> memref<512xi32, #tpu.memory_space<vmem>>
      %dma_wait3A_176 = tpu.memref_slice %arg6[%arg0, %mul3A_170] : memref<2x262144xi32, #tpu.memory_space<hbm>> -> memref<1x512xi32, #tpu.memory_space<hbm>>
      %dma_wait3A_177 = tpu.memref_squeeze %dma_wait3A_176 : memref<1x512xi32, #tpu.memory_space<hbm>> -> memref<512xi32, #tpu.memory_space<hbm>>
      %dma_wait3A_178 = tpu.memref_slice %arg13[%dma_wait3A_172] : memref<2x!tpu.dma_semaphore, #tpu.memory_space<semaphore_mem>> -> memref<1x!tpu.dma_semaphore, #tpu.memory_space<semaphore_mem>>
      %dma_wait3A_179 = tpu.memref_squeeze %dma_wait3A_178 : memref<1x!tpu.dma_semaphore, #tpu.memory_space<semaphore_mem>> -> memref<!tpu.dma_semaphore, #tpu.memory_space<semaphore_mem>>
      %dma_wait3A_180 = arith.constant 0 : i32
      %dma_wait3A_181 = tpu.memref_slice %arg8[%dma_wait3A_171, %dma_wait3A_180] : memref<2x512xi32, #tpu.memory_space<vmem>> -> memref<1x512xi32, #tpu.memory_space<vmem>>
      %dma_wait3A_182 = tpu.memref_squeeze %dma_wait3A_181 : memref<1x512xi32, #tpu.memory_space<vmem>> -> memref<512xi32, #tpu.memory_space<vmem>>
      %dma_wait3A_183 = tpu.memref_slice %arg6[%arg0, %mul3A_170] : memref<2x262144xi32, #tpu.memory_space<hbm>> -> memref<1x512xi32, #tpu.memory_space<hbm>>
      %dma_wait3A_184 = tpu.memref_squeeze %dma_wait3A_183 : memref<1x512xi32, #tpu.memory_space<hbm>> -> memref<512xi32, #tpu.memory_space<hbm>>
      tpu.wait_dma2 semaphore(%dma_wait3A_179 : memref<!tpu.dma_semaphore, #tpu.memory_space<semaphore_mem>>) src(%dma_wait3A_184 : memref<512xi32, #tpu.memory_space<hbm>>) dst(%dma_wait3A_182 : memref<512xi32, #tpu.memory_space<vmem>>)
      %ge3A_185 = arith.constant 2 : i32
      %ge3A_186 = arith.cmpi sge, %add3A_161, %ge3A_185 : i32
      %convert_element_type3A_187 = arith.extui %ge3A_186 : i1 to i32
      %cond3A_188 = arith.constant 0 : i32
      %cond3A_189 = arith.cmpi ne, %convert_element_type3A_187, %cond3A_188 : i32
      scf.if %cond3A_189 {
        %sub3A = arith.constant 2 : i32
        %sub3A_211 = arith.subi %add3A_161, %sub3A : i32
        %mul3A_212 = arith.constant 4 : i32
        %mul3A_213 = arith.muli %mul3A_212, %add3A : i32
        %mul3A_214 = arith.constant 512 : i32
        %mul3A_215 = arith.muli %sub3A_211, %mul3A_214 : i32
        %dma_wait3A_216 = arith.constant 1 : i32
        %dma_wait3A_217 = arith.constant 1 : i32
        %dma_wait3A_218 = arith.constant 0 : i32
        %dma_wait3A_219 = arith.constant 0 : i32
        %dma_wait3A_220 = tpu.memref_slice %arg9[%dma_wait3A_216, %dma_wait3A_218, %dma_wait3A_219] : memref<2x4x512xf32, #tpu.memory_space<vmem>> -> memref<1x4x512xf32, #tpu.memory_space<vmem>>
        %dma_wait3A_221 = tpu.memref_squeeze %dma_wait3A_220 : memref<1x4x512xf32, #tpu.memory_space<vmem>> -> memref<4x512xf32, #tpu.memory_space<vmem>>
        %dma_wait3A_222 = tpu.memref_slice %arg5[%mul3A_213, %mul3A_215] : memref<128x262144xf32, #tpu.memory_space<hbm>> -> memref<4x512xf32, #tpu.memory_space<hbm>>
        %dma_wait3A_223 = tpu.memref_slice %arg14[%dma_wait3A_217] : memref<2x!tpu.dma_semaphore, #tpu.memory_space<semaphore_mem>> -> memref<1x!tpu.dma_semaphore, #tpu.memory_space<semaphore_mem>>
        %dma_wait3A_224 = tpu.memref_squeeze %dma_wait3A_223 : memref<1x!tpu.dma_semaphore, #tpu.memory_space<semaphore_mem>> -> memref<!tpu.dma_semaphore, #tpu.memory_space<semaphore_mem>>
        %dma_wait3A_225 = tpu.memref_slice %arg5[%mul3A_213, %mul3A_215] : memref<128x262144xf32, #tpu.memory_space<hbm>> -> memref<4x512xf32, #tpu.memory_space<hbm>>
        %dma_wait3A_226 = arith.constant 0 : i32
        %dma_wait3A_227 = arith.constant 0 : i32
        %dma_wait3A_228 = tpu.memref_slice %arg9[%dma_wait3A_216, %dma_wait3A_226, %dma_wait3A_227] : memref<2x4x512xf32, #tpu.memory_space<vmem>> -> memref<1x4x512xf32, #tpu.memory_space<vmem>>
        %dma_wait3A_229 = tpu.memref_squeeze %dma_wait3A_228 : memref<1x4x512xf32, #tpu.memory_space<vmem>> -> memref<4x512xf32, #tpu.memory_space<vmem>>
        tpu.wait_dma2 semaphore(%dma_wait3A_224 : memref<!tpu.dma_semaphore, #tpu.memory_space<semaphore_mem>>) src(%dma_wait3A_229 : memref<4x512xf32, #tpu.memory_space<vmem>>) dst(%dma_wait3A_225 : memref<4x512xf32, #tpu.memory_space<hbm>>)
      } else {
      }
      %parallel_loop3A_190 = arith.constant 0 : i32
      %parallel_loop3A_191 = arith.constant 32 : i32
      %parallel_loop3A_192 = arith.constant 1 : i32
      scf.for %parallel_loop3A_211 = %parallel_loop3A_190 to %parallel_loop3A_191 step %parallel_loop3A_192  : i32 {
        %parallel_loop3A_212 = arith.constant 16 : i32
        %parallel_loop3A_213 = arith.muli %parallel_loop3A_211, %parallel_loop3A_212 : i32
        %parallel_loop3A_214 = arith.constant 1 : i32
        %parallel_loop3A_215 = arith.index_cast %parallel_loop3A_214 : i32 to index
        %parallel_loop3A_216 = arith.index_cast %parallel_loop3A_213 : i32 to index
        %parallel_loop3A_217 = tpu.vector_load %arg8[%parallel_loop3A_215, %parallel_loop3A_216] {strides = array<i32>} : memref<2x512xi32, #tpu.memory_space<vmem>>, vector<16xi32>,
        %parallel_loop3A_218 = tpu.vector_load_idx %arg7[%broadcast_in_dim3A_48, %parallel_loop3A_217] : memref<4x30736xf32, #tpu.memory_space<vmem>>[vector<16xi32>, vector<16xi32>], vector<16xf32>,
        %parallel_loop3A_219 = arith.constant 16 : i32
        %parallel_loop3A_220 = arith.muli %parallel_loop3A_211, %parallel_loop3A_219 : i32
        %parallel_loop3A_221 = arith.constant 1 : i32
        %parallel_loop3A_222 = arith.constant 0 : i32
        %parallel_loop3A_223 = arith.index_cast %parallel_loop3A_221 : i32 to index
        %parallel_loop3A_224 = arith.index_cast %parallel_loop3A_222 : i32 to index
        %parallel_loop3A_225 = arith.index_cast %parallel_loop3A_220 : i32 to index
        %parallel_loop3A_226 = tpu.vector_load %arg9[%parallel_loop3A_223, %parallel_loop3A_224, %parallel_loop3A_225] {strides = array<i32>} : memref<2x4x512xf32, #tpu.memory_space<vmem>>, vector<16xf32>,
        tpu.vector_store %arg9[%parallel_loop3A_223, %parallel_loop3A_224, %parallel_loop3A_225], %parallel_loop3A_218 {strides = array<i32>} : memref<2x4x512xf32, #tpu.memory_space<vmem>>, vector<16xf32>,
        %parallel_loop3A_227 = tpu.vector_load_idx %arg7[%broadcast_in_dim3A_50, %parallel_loop3A_217] : memref<4x30736xf32, #tpu.memory_space<vmem>>[vector<16xi32>, vector<16xi32>], vector<16xf32>,
        %parallel_loop3A_228 = arith.constant 16 : i32
        %parallel_loop3A_229 = arith.muli %parallel_loop3A_211, %parallel_loop3A_228 : i32
        %parallel_loop3A_230 = arith.constant 1 : i32
        %parallel_loop3A_231 = arith.constant 1 : i32
        %parallel_loop3A_232 = arith.index_cast %parallel_loop3A_230 : i32 to index
        %parallel_loop3A_233 = arith.index_cast %parallel_loop3A_231 : i32 to index
        %parallel_loop3A_234 = arith.index_cast %parallel_loop3A_229 : i32 to index
        %parallel_loop3A_235 = tpu.vector_load %arg9[%parallel_loop3A_232, %parallel_loop3A_233, %parallel_loop3A_234] {strides = array<i32>} : memref<2x4x512xf32, #tpu.memory_space<vmem>>, vector<16xf32>,
        tpu.vector_store %arg9[%parallel_loop3A_232, %parallel_loop3A_233, %parallel_loop3A_234], %parallel_loop3A_227 {strides = array<i32>} : memref<2x4x512xf32, #tpu.memory_space<vmem>>, vector<16xf32>,
        %parallel_loop3A_236 = tpu.vector_load_idx %arg7[%broadcast_in_dim3A_52, %parallel_loop3A_217] : memref<4x30736xf32, #tpu.memory_space<vmem>>[vector<16xi32>, vector<16xi32>], vector<16xf32>,
        %parallel_loop3A_237 = arith.constant 16 : i32
        %parallel_loop3A_238 = arith.muli %parallel_loop3A_211, %parallel_loop3A_237 : i32
        %parallel_loop3A_239 = arith.constant 1 : i32
        %parallel_loop3A_240 = arith.constant 2 : i32
        %parallel_loop3A_241 = arith.index_cast %parallel_loop3A_239 : i32 to index
        %parallel_loop3A_242 = arith.index_cast %parallel_loop3A_240 : i32 to index
        %parallel_loop3A_243 = arith.index_cast %parallel_loop3A_238 : i32 to index
        %parallel_loop3A_244 = tpu.vector_load %arg9[%parallel_loop3A_241, %parallel_loop3A_242, %parallel_loop3A_243] {strides = array<i32>} : memref<2x4x512xf32, #tpu.memory_space<vmem>>, vector<16xf32>,
        tpu.vector_store %arg9[%parallel_loop3A_241, %parallel_loop3A_242, %parallel_loop3A_243], %parallel_loop3A_236 {strides = array<i32>} : memref<2x4x512xf32, #tpu.memory_space<vmem>>, vector<16xf32>,
        %parallel_loop3A_245 = tpu.vector_load_idx %arg7[%broadcast_in_dim3A_54, %parallel_loop3A_217] : memref<4x30736xf32, #tpu.memory_space<vmem>>[vector<16xi32>, vector<16xi32>], vector<16xf32>,
        %parallel_loop3A_246 = arith.constant 16 : i32
        %parallel_loop3A_247 = arith.muli %parallel_loop3A_211, %parallel_loop3A_246 : i32
        %parallel_loop3A_248 = arith.constant 1 : i32
        %parallel_loop3A_249 = arith.constant 3 : i32
        %parallel_loop3A_250 = arith.index_cast %parallel_loop3A_248 : i32 to index
        %parallel_loop3A_251 = arith.index_cast %parallel_loop3A_249 : i32 to index
        %parallel_loop3A_252 = arith.index_cast %parallel_loop3A_247 : i32 to index
        %parallel_loop3A_253 = tpu.vector_load %arg9[%parallel_loop3A_250, %parallel_loop3A_251, %parallel_loop3A_252] {strides = array<i32>} : memref<2x4x512xf32, #tpu.memory_space<vmem>>, vector<16xf32>,
        tpu.vector_store %arg9[%parallel_loop3A_250, %parallel_loop3A_251, %parallel_loop3A_252], %parallel_loop3A_245 {strides = array<i32>} : memref<2x4x512xf32, #tpu.memory_space<vmem>>, vector<16xf32>,
      } {sc.loop_unroll_factor = 4 : i64, sc.parallel_access}
      %mul3A_193 = arith.constant 4 : i32
      %mul3A_194 = arith.muli %mul3A_193, %add3A : i32
      %mul3A_195 = arith.constant 512 : i32
      %mul3A_196 = arith.muli %add3A_161, %mul3A_195 : i32
      %dma_start3A_197 = arith.constant 1 : i32
      %dma_start3A_198 = arith.constant 1 : i32
      %dma_start3A_199 = arith.constant 0 : i32
      %dma_start3A_200 = arith.constant 0 : i32
      %dma_start3A_201 = tpu.memref_slice %arg9[%dma_start3A_197, %dma_start3A_199, %dma_start3A_200] : memref<2x4x512xf32, #tpu.memory_space<vmem>> -> memref<1x4x512xf32, #tpu.memory_space<vmem>>
      %dma_start3A_202 = tpu.memref_squeeze %dma_start3A_201 : memref<1x4x512xf32, #tpu.memory_space<vmem>> -> memref<4x512xf32, #tpu.memory_space<vmem>>
      %dma_start3A_203 = tpu.memref_slice %arg5[%mul3A_194, %mul3A_196] : memref<128x262144xf32, #tpu.memory_space<hbm>> -> memref<4x512xf32, #tpu.memory_space<hbm>>
      %dma_start3A_204 = tpu.memref_slice %arg14[%dma_start3A_198] : memref<2x!tpu.dma_semaphore, #tpu.memory_space<semaphore_mem>> -> memref<1x!tpu.dma_semaphore, #tpu.memory_space<semaphore_mem>>
      %dma_start3A_205 = tpu.memref_squeeze %dma_start3A_204 : memref<1x!tpu.dma_semaphore, #tpu.memory_space<semaphore_mem>> -> memref<!tpu.dma_semaphore, #tpu.memory_space<semaphore_mem>>
      %dma_start3A_206 = tpu.memref_slice %arg5[%mul3A_194, %mul3A_196] : memref<128x262144xf32, #tpu.memory_space<hbm>> -> memref<4x512xf32, #tpu.memory_space<hbm>>
      %dma_start3A_207 = arith.constant 0 : i32
      %dma_start3A_208 = arith.constant 0 : i32
      %dma_start3A_209 = tpu.memref_slice %arg9[%dma_start3A_197, %dma_start3A_207, %dma_start3A_208] : memref<2x4x512xf32, #tpu.memory_space<vmem>> -> memref<1x4x512xf32, #tpu.memory_space<vmem>>
      %dma_start3A_210 = tpu.memref_squeeze %dma_start3A_209 : memref<1x4x512xf32, #tpu.memory_space<vmem>> -> memref<4x512xf32, #tpu.memory_space<vmem>>
      tpu.enqueue_dma source(%dma_start3A_210 : memref<4x512xf32, #tpu.memory_space<vmem>>) target(%dma_start3A_206 : memref<4x512xf32, #tpu.memory_space<hbm>>) target_semaphore(%dma_start3A_205 : memref<!tpu.dma_semaphore, #tpu.memory_space<semaphore_mem>>)
    }
    %scan3A_75 = arith.constant 256 : i32
    %mul3A_76 = arith.constant 4 : i32
    %mul3A_77 = arith.muli %mul3A_76, %add3A : i32
    %dma_wait3A = arith.constant 0 : i32
    %dma_wait3A_78 = arith.constant 0 : i32
    %dma_wait3A_79 = arith.constant 0 : i32
    %dma_wait3A_80 = arith.constant 0 : i32
    %dma_wait3A_81 = tpu.memref_slice %arg9[%dma_wait3A, %dma_wait3A_79, %dma_wait3A_80] : memref<2x4x512xf32, #tpu.memory_space<vmem>> -> memref<1x4x512xf32, #tpu.memory_space<vmem>>
    %dma_wait3A_82 = tpu.memref_squeeze %dma_wait3A_81 : memref<1x4x512xf32, #tpu.memory_space<vmem>> -> memref<4x512xf32, #tpu.memory_space<vmem>>
    %dma_wait3A_83 = arith.constant 261120 : i32
    %dma_wait3A_84 = tpu.memref_slice %arg5[%mul3A_77, %dma_wait3A_83] : memref<128x262144xf32, #tpu.memory_space<hbm>> -> memref<4x512xf32, #tpu.memory_space<hbm>>
    %dma_wait3A_85 = tpu.memref_slice %arg14[%dma_wait3A_78] : memref<2x!tpu.dma_semaphore, #tpu.memory_space<semaphore_mem>> -> memref<1x!tpu.dma_semaphore, #tpu.memory_space<semaphore_mem>>
    %dma_wait3A_86 = tpu.memref_squeeze %dma_wait3A_85 : memref<1x!tpu.dma_semaphore, #tpu.memory_space<semaphore_mem>> -> memref<!tpu.dma_semaphore, #tpu.memory_space<semaphore_mem>>
    %dma_wait3A_87 = arith.constant 261120 : i32
    %dma_wait3A_88 = tpu.memref_slice %arg5[%mul3A_77, %dma_wait3A_87] : memref<128x262144xf32, #tpu.memory_space<hbm>> -> memref<4x512xf32, #tpu.memory_space<hbm>>
    %dma_wait3A_89 = arith.constant 0 : i32
    %dma_wait3A_90 = arith.constant 0 : i32
    %dma_wait3A_91 = tpu.memref_slice %arg9[%dma_wait3A, %dma_wait3A_89, %dma_wait3A_90] : memref<2x4x512xf32, #tpu.memory_space<vmem>> -> memref<1x4x512xf32, #tpu.memory_space<vmem>>
    %dma_wait3A_92 = tpu.memref_squeeze %dma_wait3A_91 : memref<1x4x512xf32, #tpu.memory_space<vmem>> -> memref<4x512xf32, #tpu.memory_space<vmem>>
    tpu.wait_dma2 semaphore(%dma_wait3A_86 : memref<!tpu.dma_semaphore, #tpu.memory_space<semaphore_mem>>) src(%dma_wait3A_92 : memref<4x512xf32, #tpu.memory_space<vmem>>) dst(%dma_wait3A_88 : memref<4x512xf32, #tpu.memory_space<hbm>>)
    %mul3A_93 = arith.constant 4 : i32
    %mul3A_94 = arith.muli %mul3A_93, %add3A : i32
    %dma_wait3A_95 = arith.constant 1 : i32
    %dma_wait3A_96 = arith.constant 1 : i32
    %dma_wait3A_97 = arith.constant 0 : i32
    %dma_wait3A_98 = arith.constant 0 : i32
    %dma_wait3A_99 = tpu.memref_slice %arg9[%dma_wait3A_95, %dma_wait3A_97, %dma_wait3A_98] : memref<2x4x512xf32, #tpu.memory_space<vmem>> -> memref<1x4x512xf32, #tpu.memory_space<vmem>>
    %dma_wait3A_100 = tpu.memref_squeeze %dma_wait3A_99 : memref<1x4x512xf32, #tpu.memory_space<vmem>> -> memref<4x512xf32, #tpu.memory_space<vmem>>
    %dma_wait3A_101 = arith.constant 261632 : i32
    %dma_wait3A_102 = tpu.memref_slice %arg5[%mul3A_94, %dma_wait3A_101] : memref<128x262144xf32, #tpu.memory_space<hbm>> -> memref<4x512xf32, #tpu.memory_space<hbm>>
    %dma_wait3A_103 = tpu.memref_slice %arg14[%dma_wait3A_96] : memref<2x!tpu.dma_semaphore, #tpu.memory_space<semaphore_mem>> -> memref<1x!tpu.dma_semaphore, #tpu.memory_space<semaphore_mem>>
    %dma_wait3A_104 = tpu.memref_squeeze %dma_wait3A_103 : memref<1x!tpu.dma_semaphore, #tpu.memory_space<semaphore_mem>> -> memref<!tpu.dma_semaphore, #tpu.memory_space<semaphore_mem>>
    %dma_wait3A_105 = arith.constant 261632 : i32
    %dma_wait3A_106 = tpu.memref_slice %arg5[%mul3A_94, %dma_wait3A_105] : memref<128x262144xf32, #tpu.memory_space<hbm>> -> memref<4x512xf32, #tpu.memory_space<hbm>>
    %dma_wait3A_107 = arith.constant 0 : i32
    %dma_wait3A_108 = arith.constant 0 : i32
    %dma_wait3A_109 = tpu.memref_slice %arg9[%dma_wait3A_95, %dma_wait3A_107, %dma_wait3A_108] : memref<2x4x512xf32, #tpu.memory_space<vmem>> -> memref<1x4x512xf32, #tpu.memory_space<vmem>>
    %dma_wait3A_110 = tpu.memref_squeeze %dma_wait3A_109 : memref<1x4x512xf32, #tpu.memory_space<vmem>> -> memref<4x512xf32, #tpu.memory_space<vmem>>
    tpu.wait_dma2 semaphore(%dma_wait3A_104 : memref<!tpu.dma_semaphore, #tpu.memory_space<semaphore_mem>>) src(%dma_wait3A_110 : memref<4x512xf32, #tpu.memory_space<vmem>>) dst(%dma_wait3A_106 : memref<4x512xf32, #tpu.memory_space<hbm>>)
    return
  }
}

</mosaic_0001>

<sc_bundles>
// kernel: _flosp_gather.3.cloned.1.call-start
scs
__scs_entry_jumppad:
0x0: {  	(pc) =	sbr.rel $0x88, $3  }
0x1: {  	(tag) =	ssettag $0x0;
	lr =	simm.s32 $0x1  }
0x2: {  	[smem:$0x3F9E] =	sst lr;
	_ =	strace $0xD0000000  }
0x3: {  	_ = 	snop  }
0x4: {  	_ = 	snop  }
0x5: {  	_ = 	snop  }
0x6: {  	_ = 	snop  }
0x7: {  	_ = 	snop  }
__scs_overlays_trampoline_lowered:
0x8: {  	[smem:$0x3FAD] =	sst s0  }
0x9: {  	[smem:$0x3FAE] =	sst s1  }
0xa: {  	[smem:$0x3FAF] =	sst s2  }
0xb: {  	[smem:$0x3FB0] =	sst s3  }
0xc: {  	[smem:$0x3FB1] =	sst s4  }
0xd: {  	[smem:$0x3FB2] =	sst s5  }
0xe: {  	[smem:$0x3FB3] =	sst s6  }
0xf: {  	[smem:$0x3FB4] =	sst s7  }
0x10: {  	[smem:$0x3FB5] =	sst s8  }
0x11: {  	[smem:$0x3FB6] =	sst s9;
	s0 =	simm.s32 @!p0 $0x0  }
0x12: {  	s1 =	sld [smem:$0x3F9C];
	s0 =	simm.s32 @p0 $0x1  }
0x13: {  	[smem:$0x3FB7] =	sst s0;
	s0 =	simm.s32 @!p1 $0x0  }
0x14: {  	s2 =	sld [smem:$0x3F9B];
	s0 =	simm.s32 @p1 $0x1  }
0x15: {  	[smem:$0x3FB8] =	sst s0;
	s0 =	simm.s32 @!p2 $0x0  }
0x16: {  	s3 =	sld [smem:$0x3FDB];
	s0 =	simm.s32 @p2 $0x1  }
0x17: {  	s4 =	simm.s32 $0x1BF5;
	[smem:$0x3FBA] =	sst s0  }
0x18: {  	s0 =	sld [smem:$0x3F9D];
	_ =	swait.ge [sflag:s4], $0x0  }
0x19: {  	s7 =	sld [smem:$0x3F9E]  }
0x1a: {  	s8 =	sadd.s32 $0xFFFFE003, lr  }
0x1b: {  	s9 =	sadd.s32 $0xFFFFFEF7, lr;
	s5 =	simm.s32 $0xFFFFFFFF;
	p2 =	slt.u32 s8, $0xFFFFF086  }
0x1c: {  	p1 =	slt.u32 s9, $0xF7A;
	s5 =	simm.s32 @!p2 $0x0  }
0x1d: {  	s5 =	simm.s32 @p1 $0x1;
	p0 =	seq.s32 s7, s2  }
0x1e: {  	s7 =	smul.u32 @!p0 $0xF7A, s2;
	p2 =	seq.s32 @!p0 s5, $0x0  }
0x1f: {  	s9 =	smul.u32 $0xF7A, s1;
	s8 =	simm.s32 @!p0 $0x1BF5;
	p2 =	por !p2, p0  }
0x20: {  	[sflag:s8] =	ssyncset.s32 @!p0 $0xFFFFF086;
	s6 =	sadd.s32 @!p0 s3, s7;
	s7 =	simm.s32 @!p0 $0x108  }
0x21: {  	s3 =	sadd.s32 s3, s9;
	s6 =	sadd.s32 @!p0 $0x88, s6;
	s7 =	simm.s32 @p2 $0x1082  }
0x22: {  	[simem:s7], [sflag:s8] =	dma.local @!p0 [hbm:s6], $0xF7A  }
0x23: {  	s9 =	sor.u32 $0xD0000000, s2;
	s6 =	simm.s32 $0x108;
	_ =	swait.ge @!p0 [sflag:s8], $0x0  }
0x24: {  	s3 =	sadd.s32 $0x88, s3;
	s6 =	simm.s32 @!p1 $0x1082;
	[sflag:s4] =	ssyncset.s32 $0xFFFFF086  }
0x25: {  	[simem:s6], [sflag:s4] =	dma.local [hbm:s3], $0xF7A  }
0x26: {  	[smem:$0x3F9E] =	sst s1;
	(tag) =	ssettag s2;
	_ =	strace s9  }
0x27: {  	s1 =	sld [smem:$0x3FAE]  }
0x28: {  	s2 =	sld [smem:$0x3FAF]  }
0x29: {  	s4 =	sld [smem:$0x3FB1]  }
0x2a: {  	p0 =	seq.s32 s5, $0x0;
	s5 =	sld [smem:$0x3FB2]  }
0x2b: {  	s6 =	sld [smem:$0x3FB3]  }
0x2c: {  	s7 =	sld [smem:$0x3FB4]  }
0x2d: {  	s3 =	simm.s32 $0x108;
	s8 =	sld [smem:$0x3FB5]  }
0x2e: {  	s3 =	simm.s32 @!p0 $0x1082;
	s9 =	sld [smem:$0x3FB6]  }
0x2f: {  	lr =	sadd.s32 s0, s3;
	s0 =	sld [smem:$0x3FAD]  }
0x30: {  	s3 =	sld [smem:$0x3FB0]  }
0x31: {  	[smem:$0x3FB9] =	sst s10  }
0x32: {  	s10 =	sld [smem:$0x3FB7];
	_ =	sdelay $0x3  }
0x33: {  	p0 =	seq.s32 s10, $0x1;
	s10 =	sld [smem:$0x3FB9];
	_ =	sdelay $0x3  }
0x34: {  	[smem:$0x3FB9] =	sst s10  }
0x35: {  	s10 =	sld [smem:$0x3FB8];
	_ =	sdelay $0x3  }
0x36: {  	p1 =	seq.s32 s10, $0x1;
	s10 =	sld [smem:$0x3FB9];
	_ =	sdelay $0x3  }
0x37: {  	[smem:$0x3FB9] =	sst s10  }
0x38: {  	s10 =	sld [smem:$0x3FBA]  }
0x39: {  	_ = 	snop;
	(pc) =	sbr.ind lr, $3  }
0x3a: {  	_ = 	snop  }
0x3b: {  	_ = 	snop  }
0x3c: {  	p2 =	seq.s32 s10, $0x1;
	s10 =	sld [smem:$0x3FB9]  }
0x3d: {  	_ =	shalt  }
0x3e: {  	_ =	shalt  }
0x3f: {  	_ =	shalt  }
0x40: {  	_ =	shalt  }
0x41: {  	_ =	shalt  }
0x42: {  	_ =	shalt  }
0x43: {  	_ =	shalt  }
0x44: {  	_ =	shalt  }
0x45: {  	_ =	shalt  }
0x46: {  	_ =	shalt  }
0x47: {  	_ =	shalt  }
0x48: {  	_ =	shalt  }
0x49: {  	_ =	shalt  }
0x4a: {  	_ =	shalt  }
0x4b: {  	_ =	shalt  }
0x4c: {  	_ =	shalt  }
0x4d: {  	_ =	shalt  }
0x4e: {  	_ =	shalt  }
0x4f: {  	_ =	shalt  }
0x50: {  	_ =	shalt  }
0x51: {  	_ =	shalt  }
0x52: {  	_ =	shalt  }
0x53: {  	_ =	shalt  }
0x54: {  	_ =	shalt  }
0x55: {  	_ =	shalt  }
0x56: {  	_ =	shalt  }
0x57: {  	_ =	shalt  }
0x58: {  	_ =	shalt  }
0x59: {  	_ =	shalt  }
0x5a: {  	_ =	shalt  }
0x5b: {  	_ =	shalt  }
0x5c: {  	_ =	shalt  }
0x5d: {  	_ =	shalt  }
0x5e: {  	_ =	shalt  }
0x5f: {  	_ =	shalt  }
0x60: {  	_ =	shalt  }
0x61: {  	_ =	shalt  }
0x62: {  	_ =	shalt  }
0x63: {  	_ =	shalt  }
0x64: {  	_ =	shalt  }
0x65: {  	_ =	shalt  }
0x66: {  	_ =	shalt  }
0x67: {  	_ =	shalt  }
0x68: {  	_ =	shalt  }
0x69: {  	_ =	shalt  }
0x6a: {  	_ =	shalt  }
0x6b: {  	_ =	shalt  }
0x6c: {  	_ =	shalt  }
0x6d: {  	_ =	shalt  }
0x6e: {  	_ =	shalt  }
0x6f: {  	_ =	shalt  }
0x70: {  	_ =	shalt  }
0x71: {  	_ =	shalt  }
0x72: {  	_ =	shalt  }
0x73: {  	_ =	shalt  }
0x74: {  	_ =	shalt  }
0x75: {  	_ =	shalt  }
0x76: {  	_ =	shalt  }
0x77: {  	_ =	shalt  }
0x78: {  	_ =	shalt  }
0x79: {  	_ =	shalt  }
0x7a: {  	_ =	shalt  }
0x7b: {  	_ =	shalt  }
0x7c: {  	_ =	shalt  }
0x7d: {  	_ =	shalt  }
0x7e: {  	_ =	shalt  }
0x7f: {  	_ =	shalt  }
0x80: {  	_ =	shalt  }
0x81: {  	_ =	shalt  }
0x82: {  	_ =	shalt  }
0x83: {  	_ =	shalt  }
0x84: {  	_ =	shalt  }
0x85: {  	_ =	shalt  }
0x86: {  	_ =	shalt  }
0x87: {  	_ =	shalt  }
.Lfunc_end0:
.L_simem_size_0:
called_computation_lowered:
.L_overlay_start_0:
0x88: {  	s2 =	sld [smem:$0x3FD9]  }
0x89: {  	s3 =	sld [smem:$0x3FFE];
	_ =	sdelay $0x1  }
0x8a: {  	s1 =	srdreg.scid  }
0x8b: {  	s0 =	sand.u32 $0x1, s1  }
0x8c: {  	s15 =	sshll.u32 s0, $0xA;
	s2 =	sadd.s32 s3, s2  }
0x8d: {  	s2 =	sadd.s32 s2, s15  }
0x8e: {  	[smem:$0x3FC5] =	sst s2  }
0x8f: {  	_ = 	snop  }
0x90: {  	s2 =	sld [smem:$0x3FD0]  }
0x91: {  	s16 =	sld [smem:$0x3FC9]  }
0x92: {  	s4 =	sld [smem:$0x3FC8]  }
0x93: {  	s6 =	simm.s32 $0xA;
	s7 =	simm.s32 $0x10;
	s5 =	sld [smem:$0x3FC7]  }
0x94: {  	[smem:s7], [sflag:s6] =	dma.local [hbm:s2], $0x1  }
0x95: {  	_ =	swait.eq [sflag:s6], $0x1  }
0x96: {  	[sflag:s6] =	ssyncset.done $0x0  }
0x97: {  	s17 =	sld [smem:$0x10];
	[sflag:s6] =	ssyncadd.s32 $0xFFFFFFFF  }
0x98: {  	s18 =	sld [smem:$0x11];
	(tm) =	ssettm $0x1  }
0x99: {  	s19 =	sld [smem:$0x3FFB];
	_ =	sdelay $0x3  }
0x9a: {  	_ =	strace s19  }
0x9b: {  	s7 =	sld [smem:$0x3FFC];
	_ =	sdelay $0x3  }
0x9c: {  	_ =	strace s7  }
0x9d: {  	s7 =	sld [smem:$0x3FFD];
	_ =	sdelay $0x3  }
0x9e: {  	_ =	strace s7  }
0x9f: {  	_ =	strace $0x8FFFFFFF  }
0xa0: {  	s20 =	sld [smem:$0x3FDB];
	_ =	sdelay $0x1  }
0xa1: {  	s8 =	simm.s32 $_scs_section_size  }
0xa2: {  	s9 =	simm.s32 $_size__tile_overlayer_lowered;
	s10 =	simm.s32 $_tile_overlayer_lowered  }
0xa3: {  	s23 =	simm.s32 $0x1BFF;
	s22 =	sshll.u32 s10, $0x1;
	s7 =	sadd.s32 s8, s20  }
0xa4: {  	s11 =	simm.s32 $0x0;
	s21 =	sshll.u32 s9, $0x1;
	s9 =	sadd.s32 s22, s7  }
0xa5: {  	[timem:s11], [sflag:s23] =	dma.local [hbm:s9], s21  }
0xa6: {  	_ =	swait.ge [sflag:s23], s21  }
0xa7: {  	s8 =	ssub.s32 $0x0, s21;
	[sflag:s23] =	ssyncset.done $0x0  }
0xa8: {  	[sflag:s23] =	ssyncadd.s32 s8;
	_ =	sdelay $0x1  }
0xa9: {  	s24 =	simm.s32 $0x1B8B  }
0xaa: {  	_ =	swait.ge [sflag:s24], $0x1  }
0xab: {  	[sflag:s24] =	ssyncset.done $0x0  }
0xac: {  	s25 =	simm.s32 $0x1B8E;
	[sflag:s24] =	ssyncadd.s32 $0xFFFFFFFF  }
0xad: {  	s26 =	simm.s32 $execute0_lowered;
	[smem:$0x3FD2] =	sst s25  }
0xae: {  	s8 =	sshll.u32 s26, $0x1;
	_ =	strace $0x80000046;
	[dreg:$0x1] =	wrdreg $0xFFFFFFFF  }
0xaf: {  	s28 =	simm.s32 $_size_execute0_lowered;
	s7 =	sadd.s32 s7, s8;
	[dreg:$0x0] =	wrdreg $0x0  }
0xb0: {  	s8 =	sshll.u32 s28, $0x1;
	[dreg:$0x2] =	wrdreg s7  }
0xb1: {  	[dreg:$0x3] =	wrdreg s8  }
0xb2: {  	[dreg:$0x4] =	wrdreg $0xC0  }
0xb3: {  	_ =	task [dreg:s11], $0x5FFFF  }
0xb4: {  	[dreg:$0x1] =	wrdreg $0xFFFFFFFF  }
0xb5: {  	[dreg:$0x0] =	wrdreg $0x60  }
0xb6: {  	[dreg:$0x2] =	wrdreg s16  }
0xb7: {  	[dreg:$0x3] =	wrdreg s4  }
0xb8: {  	[dreg:$0x4] =	wrdreg s5  }
0xb9: {  	[dreg:$0x5] =	wrdreg s17  }
0xba: {  	[dreg:$0x6] =	wrdreg s18  }
0xbb: {  	[dreg:$0x7] =	wrdreg $0x9  }
0xbc: {  	_ =	task.clear_ibuf [dreg:s11], $0x8FFFF;
	_ =	strace $0x90000046  }
0xbd: {  	s29 =	simm.s32 $0x9;
	_ =	strace $0x80000048  }
0xbe: {  	_ =	swait.ge [sflag:s29], $0x1  }
0xbf: {  	[sflag:s29] =	ssyncadd.s32 $0xFFFFFFFF  }
0xc0: {  	_ =	strace $0x90000048  }
0xc1: {  	_ =	sfence  }
0xc2: {  	s30 =	sld [smem:$0x0];
	_ =	sdelay $0x2  }
0xc3: {  	s31 =	sshll.u32 s1, $0xD;
	s1 =	sshrl.u32 s1, $0x2  }
0xc4: {  	s3 =	sand.u32 $0x4000, s31;
	s1 =	sadd.s32 s1, s30  }
0xc5: {  	s0 =	sor.u32 s3, s0;
	s1 =	sshll.u32 s1, $0x11  }
0xc6: {  	s0 =	sor.u32 s1, s0  }
0xc7: {  	s0 =	sadd.s32 $0x8F2B, s0  }
0xc8: {  	[sflag:s0] =	ssyncadd.remote.s32 $0x1  }
0xc9: {  	_ =	sfence.sel $0xFFFF  }
0xca: {  	[dreg:$0x0] =	wrdreg $0xFFFFFFFF;
	(pc) =	sbr.abs _section_cstart, $3  }
0xcb: {  	[dreg:$0x1] =	wrdreg $0xFFFFFFFF  }
0xcc: {  	_ =	task.clear_ibuf [dreg:s11], $0x2FFFF;
	_ =	strace $0x9FFFFFFF  }
0xcd: {  	(tm) =	ssettm $0x7FFFFFFF  }
tec
execute0_lowered:
.L_overlay_start_1:
0x0: {  	(tag) =	ssettag $0x1  }
0x1: {  	s0 =	rddreg [dreg:$0x0]  }
0x2: {  	s9 =	rddreg [dreg:$0x1]  }
0x3: {  	s15 =	rddreg [dreg:$0x2]  }
0x4: {  	s18 =	rddreg [dreg:$0x3];
	s1 =	srdreg.scid  }
0x5: {  	s7 =	stileid.u32;
	s13 =	rddreg [dreg:$0x4]  }
0x6: {  	s6 =	simm.s32 $0x0;
	s17 =	simm.s32 $0x1F600;
	s21 =	simm.s32 $0x1F800  }
0x7: {  	s22 =	simm.s32 $0x80;
	s23 =	simm.s32 $0x100;
	s24 =	simm.s32 $0x1F900  }
0x8: {  	s1 =	sand.u32 $0x1, s1;
	s2 =	smul.u32 $0x3C000, s7;
	[smem:$0x7FF] =	sst s6  }
0x9: {  	s19 =	sshll.u32 s7, $0xE;
	s28 =	sshll.u32 s7, $0x15;
	s3 =	sshll.u32 s1, $0x9  }
0xa: {  	s4 =	ssub.s32 $0x2, s1;
	_ =	strace $0x80000047;
	s20 =	sshll.u32 s1, $0x7  }
0xb: {  	s26 =	sshll.u32 s1, $0x4;
	[dreg:$0x6] =	wrdreg s19;
	s2 =	sor.u32 s3, s2  }
0xc: {  	s5 =	sshrl.u32 s4, $0x1;
	s29 =	sor.u32 $0x800, s20;
	[dreg:$0x7] =	wrdreg s20  }
0xd: {  	v0 =	vlaneseq.u32;
	s30 =	sor.u32 s3, s28;
	s3 =	simm.s32 $0x5;
	[dreg:$0x9] =	wrdreg s29  }
0xe: {  	v0 =	vmul.u32 $0x2, v0;
	s2 =	sshrl.u32 s2, $0x3;
	s4 =	ssub.s32 s4, s5;
	[dreg:$0xa] =	wrdreg s30  }
0xf: {  	s8 =	sadd.s32 s0, s2;
	s0 =	sadd.s32 s13, s26;
	s31 =	smax.u32 s4, $0x1  }
0x10: {  	v5 =	vimm.f32 $0.0e+00;
	v1 =	vor.u32 $0x1, v0;
	s2 =	simm.s32 $0x0;
	s10 =	sadd.s32 $0x10, s8;
	[dreg:$0x8] =	wrdreg s0  }
0x11: {  	v2 =	vor.u32 $0x21, v0;
	v3 =	vor.u32 $0x41, v0;
	v4 =	vor.u32 $0x61, v0;
	s11 =	sadd.s32 $0x20, s8;
	s12 =	sadd.s32 $0x30, s8;
	[dreg:$0xb] =	wrdreg s31  }
.LBB2_1:
0x12: {  	[dreg:$0xc] =	wrdreg s2;
	s1 =	simm.s32 $0x0  }
.LBB2_2:
0x13: {  	s0 =	sshll.u32 s1, $0x8  }
0x14: {  	s2 =	sadd.s32 s19, s0  }
0x15: {  	s0 =	sshrl.u32 s2, $0x2  }
0x16: {  	s4 =	simm.s32 $0x0;
	s0 =	sadd.s32 s9, s0  }
0x17: {  	[tilespmem:s17], [sflag:$0x5] =	stream.linear.gather [hbm4b:s0+s4], $0x200, $0x38;
	[tilespmem:$0x1FA00] =	vst v63  }
0x18: {  	_ =	swait.ge [sflag:s3], $0x200  }
0x19: {  	s25 =	simm.s32 $0x60;
	s16 =	sshrl.u32 s2, $0x3;
	[sflag:s3] =	ssyncset.done $0x0  }
0x1a: {  	s5 =	simm.s32 $0x20;
	v6 =	vor.u32 s4, v1;
	s0 =	sadd.s32 s15, s16;
	[sflag:s3] =	ssyncadd.s32 $0xFFFFFE00  }
0x1b: {  	v7 =	vor.u32 s25, v4;
	[tilespmem:s21], [sflag:$0x5] =	stream.linear.gather [hbm4b:s0+s4], $0x100, $0x38;
	[tilespmem:$0x1FA00] =	vst v63  }
0x1c: {  	v8 =	vor.u32 s5, v2;
	_ =	swait.ge [sflag:s3], $0x100  }
0x1d: {  	s28 =	simm.s32 $0x80;
	[sflag:s3] =	ssyncset.done $0x0  }
0x1e: {  	s7 =	simm.s32 $0x40;
	v16 =	vor.u32 s28, v1;
	[sflag:s3] =	ssyncadd.s32 $0xFFFFFF00  }
0x1f: {  	v10 =	vor.u32 s7, v3;
	v6 =	vld.idx.msk [tilespmem:v6+s17+$0x0], $0xffff  }
0x20: {  	v9 =	vor.u32 s25, v0;
	v7 =	vld.idx.msk [tilespmem:v7+s17+$0x0], $0xffff  }
0x21: {  	s26 =	simm.s32 $0x1F820;
	v8 =	vld.idx.msk [tilespmem:v8+s17+$0x0], $0xffff  }
0x22: {  	v23 =	vld [tilespmem:s26+$0x0]  }
0x23: {  	v12 =	vor.u32 s5, v0;
	v16 =	vld.idx.msk [tilespmem:v16+s17+$0x0], $0xffff  }
0x24: {  	s29 =	simm.s32 $0xE0;
	v11 =	vor.u32 s4, v0;
	v10 =	vld.idx.msk [tilespmem:v10+s17+$0x0], $0xffff  }
0x25: {  	s30 =	simm.s32 $0xA0;
	s31 =	simm.s32 $0xC0;
	v13 =	vor.u32 s7, v0;
	v15 =	vor.u32 s28, v0;
	v17 =	vor.u32 s29, v4;
	v9 =	vld.idx.msk [tilespmem:v9+s17+$0x0], $0xffff  }
0x26: {  	v18 =	vor.u32 s31, v3;
	v20 =	vor.u32 s30, v0;
	v21 =	vor.u32 s31, v0  }
0x27: {  	v22 =	vor.u32 s29, v0;
	v14 =	vld [tilespmem:s26+$0x10];
	vm0 =	vgt.s32 v6, $0x0;
	vm1 =	vgt.s32 v8, $0x0  }
0x28: {  	v12 =	vld.idx.msk [tilespmem:v12+s17+$0x0], $0xffff;
	vm2 =	veq.s32 v23, $0x0;
	vm3 =	vgt.s32 v16, $0x0;
	v6 =	vnsel vm0, $0x0, v6  }
0x29: {  	vm0 =	vgt.s32 v7, $0x0;
	v8 =	vnsel vm1, $0x0, v8;
	vm1 =	vgt.s32 v10, $0x0  }
0x2a: {  	v11 =	vld.idx.msk [tilespmem:v11+s17+$0x0], $0xffff;
	v6 =	vmin.u32 v6, $0x5F;
	v7 =	vnsel vm0, $0x0, v7;
	vm0 =	vgt.s32 v9, $0x0  }
0x2b: {  	v13 =	vld.idx.msk [tilespmem:v13+s17+$0x0], $0xffff;
	v8 =	vmin.u32 v8, $0x5F;
	v7 =	vmin.u32 v7, $0x5F;
	v9 =	vnsel vm0, $0x0, v9  }
0x2c: {  	vm0 =	veq.s32 v14, $0x0;
	v14 =	vor.u32 s30, v2;
	v7 =	vmul.u32 $0x140, v7  }
0x2d: {  	v17 =	vld.idx.msk [tilespmem:v17+s17+$0x0], $0xffff;
	v10 =	vnsel vm1, $0x0, v10;
	vm1 =	vgt.s32 v12, $0x0;
	v9 =	vmin.u32 v9, $0x13F  }
0x2e: {  	v10 =	vmin.u32 v10, $0x5F;
	v6 =	vmul.u32 $0x140, v6;
	v7 =	vadd.s32 v9, v7;
	v9 =	vld [tilespmem:s26+$0xFFFFFFE0]  }
0x2f: {  	v24 =	vmul.u32 $0x140, v8;
	v19 =	vsel vm0, $0x7800, v7;
	v7 =	vld [tilespmem:s26+$0xFFFFFFF0];
	vm0 =	vgt.s32 v11, $0x0  }
0x30: {  	v22 =	vld.idx.msk [tilespmem:v22+s17+$0x0], $0xffff;
	v8 =	vnsel vm1, $0x0, v12;
	v11 =	vnsel vm0, $0x0, v11;
	vm0 =	vgt.s32 v13, $0x0  }
0x31: {  	v10 =	vmul.u32 $0x140, v10;
	v14 =	vld.idx.msk [tilespmem:v14+s17+$0x0], $0xffff;
	v12 =	vnsel vm0, $0x0, v13;
	v11 =	vmin.u32 v11, $0x13F  }
0x32: {  	v13 =	vmin.u32 v8, $0x13F;
	v8 =	vld.idx.msk [tilespmem:v18+s17+$0x0], $0xffff;
	v12 =	vmin.u32 v12, $0x13F;
	v11 =	vadd.s32 v11, v6  }
0x33: {  	v13 =	vadd.s32 v13, v24;
	v6 =	vld.idx.msk [tilespmem:v20+s17+$0x0], $0xffff;
	v10 =	vadd.s32 v12, v10;
	vm0 =	veq.s32 v9, $0x0  }
0x34: {  	s7 =	simm.s32 $0x1F860;
	s4 =	simm.s32 $0x1F920;
	v12 =	vnsel vm3, $0x0, v16;
	vm1 =	veq.s32 v7, $0x0;
	v7 =	vld.idx.msk [tilespmem:v21+s17+$0x0], $0xffff;
	v10 =	vsel vm2, $0x7800, v10  }
0x35: {  	[tilespmem:s4+$0x10] =	vst v19;
	v16 =	vsel vm0, $0x7800, v11;
	v9 =	vsel vm1, $0x7800, v13;
	v13 =	vld [tilespmem:s7+$0x10];
	vm1 =	vgt.s32 v17, $0x0  }
0x36: {  	v11 =	vld.idx.msk [tilespmem:v15+s17+$0x0], $0xffff;
	v12 =	vmin.u32 v12, $0x5F;
	vm0 =	vgt.s32 v14, $0x0;
	[tilespmem:s4+$0x0] =	vst v10;
	v15 =	vnsel vm1, $0x0, v17  }
0x37: {  	[tilespmem:s4+$0xFFFFFFE0] =	vst v16;
	v10 =	vld [tilespmem:s7+$0xFFFFFFF0];
	v14 =	vnsel vm0, $0x0, v14;
	vm1 =	vgt.s32 v22, $0x0;
	v15 =	vmin.u32 v15, $0x5F  }
0x38: {  	s13 =	simm.s32 $0x4;
	s14 =	simm.s32 $0x100;
	[tilespmem:s4+$0xFFFFFFF0] =	vst v9;
	v9 =	vld [tilespmem:s7+$0xFFFFFFE0];
	vm0 =	vgt.s32 v8, $0x0;
	v16 =	vnsel vm1, $0x0, v22;
	v15 =	vmul.u32 $0x140, v15  }
.LBB2_3:
0x39: {  	v17 =	vor.u32 s14, v0;
	v18 =	vor.u32 s14, v1;
	s0 =	sadd.s32 $0x20, s14;
	s5 =	sadd.s32 $0x60, s14;
	s13 =	sadd.s32 $0x4, s13;
	v19 =	vld [tilespmem:s7+$0x0];
	v16 =	vmin.u32 v16, $0x13F  }
0x3a: {  	s16 =	sadd.s32 $0x40, s14;
	v20 =	vor.u32 s5, v4;
	p0 =	slt.u32 s13, $0xC;
	v15 =	vadd.s32 v16, v15;
	vm1 =	veq.s32 v13, $0x0  }
0x3b: {  	s4 =	sadd.s32 $0x40, s4;
	v13 =	vor.u32 s0, v2;
	v16 =	vor.u32 s16, v3;
	v15 =	vsel vm1, $0x7800, v15  }
0x3c: {  	v21 =	vor.u32 s0, v0;
	v22 =	vor.u32 s16, v0;
	v23 =	vor.u32 s5, v0;
	[tilespmem:s4+$0x10] =	vst v15  }
0x3d: {  	v14 =	vmin.u32 v14, $0x5F;
	v8 =	vnsel vm0, $0x0, v8;
	vm1 =	vgt.s32 v6, $0x0  }
0x3e: {  	vm2 =	vgt.s32 v7, $0x0;
	v8 =	vmin.u32 v8, $0x5F;
	vm0 =	vgt.s32 v11, $0x0;
	v15 =	vld.idx.msk [tilespmem:v18+s17+$0x0], $0xffff  }
0x3f: {  	v12 =	vmul.u32 $0x140, v12;
	v14 =	vmul.u32 $0x140, v14;
	v18 =	vld.idx.msk [tilespmem:v20+s17+$0x0], $0xffff;
	v20 =	vmul.u32 $0x140, v8  }
0x40: {  	v7 =	vnsel vm2, $0x0, v7;
	v6 =	vnsel vm1, $0x0, v6;
	v8 =	vnsel vm0, $0x0, v11;
	v24 =	vld.idx.msk [tilespmem:v13+s17+$0x0], $0xffff  }
0x41: {  	v7 =	vmin.u32 v7, $0x13F;
	v6 =	vmin.u32 v6, $0x13F;
	v11 =	vmin.u32 v8, $0x13F;
	v23 =	vld.idx.msk [tilespmem:v23+s17+$0x0], $0xffff  }
0x42: {  	v11 =	vadd.s32 v11, v12;
	v12 =	vadd.s32 v6, v14;
	v13 =	vadd.s32 v7, v20;
	v8 =	vld.idx.msk [tilespmem:v16+s17+$0x0], $0xffff  }
0x43: {  	vm1 =	veq.s32 v10, $0x0;
	vm2 =	veq.s32 v19, $0x0;
	vm0 =	veq.s32 v9, $0x0;
	v6 =	vld.idx.msk [tilespmem:v21+s17+$0x0], $0xffff  }
.Ltmp0:
0x44: {  	s7 =	sadd.s32 $0x40, s7;
	v9 =	vsel vm1, $0x7800, v12;
	v10 =	vsel vm2, $0x7800, v13;
	vm3 =	vgt.s32 v15, $0x0;
	v7 =	vld.idx.msk [tilespmem:v22+s17+$0x0], $0xffff;
	(pc) =	sbr.rel @p0 .LBB2_3-.Ltmp0, $4  }
0x45: {  	v12 =	vnsel vm3, $0x0, v15;
	vm1 =	vgt.s32 v18, $0x0;
	v15 =	vsel vm0, $0x7800, v11;
	v13 =	vld [tilespmem:s7+$0x10];
	[tilespmem:s4+$0xFFFFFFF0] =	vst v9  }
0x46: {  	v12 =	vmin.u32 v12, $0x5F;
	vm0 =	vgt.s32 v24, $0x0;
	v16 =	vnsel vm1, $0x0, v18;
	v11 =	vld.idx.msk [tilespmem:v17+s17+$0x0], $0xffff;
	[tilespmem:s4+$0x0] =	vst v10  }
0x47: {  	v14 =	vnsel vm0, $0x0, v24;
	v16 =	vmin.u32 v16, $0x5F;
	vm1 =	vgt.s32 v23, $0x0;
	v9 =	vld [tilespmem:s7+$0xFFFFFFE0];
	[tilespmem:s4+$0xFFFFFFE0] =	vst v15  }
0x48: {  	s14 =	sadd.s32 $0x80, s14;
	vm0 =	vgt.s32 v8, $0x0;
	v15 =	vmul.u32 $0x140, v16;
	v16 =	vnsel vm1, $0x0, v23;
	v10 =	vld [tilespmem:s7+$0xFFFFFFF0]  }
0x49: {  	v16 =	vmin.u32 v16, $0x13F;
	v14 =	vmin.u32 v14, $0x5F;
	v8 =	vnsel vm0, $0x0, v8  }
0x4a: {  	vm11 =	vgt.s32 v6, $0x0;
	vm2 =	vgt.s32 v7, $0x0;
	v12 =	vmul.u32 $0x140, v12  }
0x4b: {  	v62 =	vld [tilespmem:s7+$0x0];
	v15 =	vadd.s32 v16, v15;
	vm1 =	veq.s32 v13, $0x0;
	v8 =	vmin.u32 v8, $0x5F  }
0x4c: {  	v14 =	vmul.u32 $0x140, v14;
	v6 =	vnsel vm11, $0x0, v6;
	v7 =	vnsel vm2, $0x0, v7  }
0x4d: {  	v13 =	vsel vm1, $0x7800, v15;
	vm12 =	vgt.s32 v11, $0x0;
	v8 =	vmul.u32 $0x140, v8  }
0x4e: {  	v6 =	vmin.u32 v6, $0x13F;
	v7 =	vmin.u32 v7, $0x13F;
	v11 =	vnsel vm12, $0x0, v11  }
0x4f: {  	s0 =	sadd.s32 $0x40, s4;
	v6 =	vadd.s32 v6, v14;
	v11 =	vmin.u32 v11, $0x13F;
	vm13 =	veq.s32 v10, $0x0  }
0x50: {  	s2 =	sshll.u32 s2, $0x1;
	[tilespmem:s0+$0x10] =	vst v13;
	v7 =	vadd.s32 v7, v8;
	vm14 =	veq.s32 v62, $0x0;
	v6 =	vsel vm13, $0x7800, v6  }
0x51: {  	s1 =	sadd.s32 $0x1, s1;
	s2 =	sor.u32 s20, s2;
	vm15 =	veq.s32 v9, $0x0;
	v63 =	vadd.s32 v11, v12;
	v7 =	vsel vm14, $0x7800, v7;
	[tilespmem:s0+$0xFFFFFFF0] =	vst v6  }
0x52: {  	s31 =	rddreg [dreg:$0x4];
	p0 =	sne.s32 s1, $0x40;
	s2 =	sshrl.u32 s2, $0x3;
	v6 =	vsel vm15, $0x7800, v63;
	[tilespmem:s0+$0x0] =	vst v7  }
.Ltmp1:
0x53: {  	[tilespmem:s0+$0xFFFFFFE0] =	vst v6;
	s0 =	sadd.s32 s31, s2;
	(pc) =	sbr.rel @p0 .LBB2_2-.Ltmp1, $4  }
0x54: {  	[hbm4b:s0+s22] =	stream.strided.scatter [tilespmem:s24], [sflag:$0x5], $0x100, s23, s22, $0x38;
	[tilespmem:$0x1FA00] =	vst v63  }
0x55: {  	_ =	swait.ge [sflag:s3], $0x100  }
0x56: {  	[sflag:s3] =	ssyncset.done $0x0  }
0x57: {  	[sflag:s3] =	ssyncadd.s32 $0xFFFFFF00  }
0x58: {  	[bflag:$0x0] =	sbarrier.arrive $0xFFFF;
	s0 =	simm.s32 $0x0  }
0x59: {  	s1 =	simm.s32 $0x80;
	s4 =	sadd.s32 $0x0, s8;
	s2 =	simm.s32 $0x200  }
.LBB2_6:
0x5a: {  	[tilespmem:s0], [sflag:$0x5] =	stream.linear.gather [hbm4b:s4+s6], $0x80, $0x38;
	[tilespmem:$0x1FA00] =	vst v63  }
0x5b: {  	s4 =	smov.u32 s1;
	s0 =	smov.u32 s2;
	p0 =	sne.s32 s1, $0x7780  }
.Ltmp2:
0x5c: {  	s1 =	sadd.s32 $0x80, s1;
	(pc) =	sbr.rel @p0 .LBB2_6-.Ltmp2, $2  }
0x5d: {  	_ =	sdelay $0x2  }
0x5e: {  	s2 =	sadd.s32 $0x200, s2;
	s4 =	sadd.s32 s4, s8  }
0x5f: {  	[tilespmem:s0], [sflag:$0x5] =	stream.linear.gather [hbm4b:s4+s6], $0x80, $0x38;
	[tilespmem:$0x1FA00] =	vst v63  }
0x60: {  	_ =	swait.ge [sflag:s3], $0x7800  }
0x61: {  	[sflag:s3] =	ssyncset.done $0x0  }
0x62: {  	s0 =	simm.s32 $0x80;
	[sflag:s3] =	ssyncadd.s32 $0xFFFF8800  }
0x63: {  	s1 =	simm.s32 $0x80;
	s4 =	sadd.s32 $0x0, s10;
	s2 =	simm.s32 $0x280;
	[tilespmem:$0x1E000] =	vst v5  }
.LBB2_8:
0x64: {  	[tilespmem:s0], [sflag:$0x5] =	stream.linear.gather [hbm4b:s4+s6], $0x80, $0x38;
	[tilespmem:$0x1FA00] =	vst v63  }
0x65: {  	s4 =	smov.u32 s1;
	s0 =	smov.u32 s2;
	p0 =	sne.s32 s1, $0x7780  }
.Ltmp3:
0x66: {  	s1 =	sadd.s32 $0x80, s1;
	(pc) =	sbr.rel @p0 .LBB2_8-.Ltmp3, $2  }
0x67: {  	_ =	sdelay $0x2  }
0x68: {  	s2 =	sadd.s32 $0x200, s2;
	s4 =	sadd.s32 s4, s10  }
0x69: {  	[tilespmem:s0], [sflag:$0x5] =	stream.linear.gather [hbm4b:s4+s6], $0x80, $0x38;
	[tilespmem:$0x1FA00] =	vst v63  }
0x6a: {  	_ =	swait.ge [sflag:s3], $0x7800  }
0x6b: {  	[sflag:s3] =	ssyncset.done $0x0  }
0x6c: {  	s0 =	simm.s32 $0x100;
	[sflag:s3] =	ssyncadd.s32 $0xFFFF8800  }
0x6d: {  	s1 =	simm.s32 $0x80;
	s4 =	sadd.s32 $0x0, s11;
	s2 =	simm.s32 $0x300;
	[tilespmem:$0x1E080] =	vst v5  }
.LBB2_10:
0x6e: {  	[tilespmem:s0], [sflag:$0x5] =	stream.linear.gather [hbm4b:s4+s6], $0x80, $0x38;
	[tilespmem:$0x1FA00] =	vst v63  }
0x6f: {  	s4 =	smov.u32 s1;
	s0 =	smov.u32 s2;
	p0 =	sne.s32 s1, $0x7780  }
.Ltmp4:
0x70: {  	s1 =	sadd.s32 $0x80, s1;
	(pc) =	sbr.rel @p0 .LBB2_10-.Ltmp4, $2  }
0x71: {  	_ =	sdelay $0x2  }
0x72: {  	s2 =	sadd.s32 $0x200, s2;
	s4 =	sadd.s32 s4, s11  }
0x73: {  	[tilespmem:s0], [sflag:$0x5] =	stream.linear.gather [hbm4b:s4+s6], $0x80, $0x38;
	[tilespmem:$0x1FA00] =	vst v63  }
0x74: {  	_ =	swait.ge [sflag:s3], $0x7800  }
0x75: {  	[sflag:s3] =	ssyncset.done $0x0  }
0x76: {  	s0 =	simm.s32 $0x180;
	[sflag:s3] =	ssyncadd.s32 $0xFFFF8800  }
0x77: {  	s1 =	simm.s32 $0x80;
	s4 =	sadd.s32 $0x0, s12;
	s2 =	simm.s32 $0x380;
	[tilespmem:$0x1E100] =	vst v5  }
.LBB2_12:
0x78: {  	[tilespmem:s0], [sflag:$0x5] =	stream.linear.gather [hbm4b:s4+s6], $0x80, $0x38;
	[tilespmem:$0x1FA00] =	vst v63  }
0x79: {  	s4 =	smov.u32 s1;
	s0 =	smov.u32 s2;
	p0 =	sne.s32 s1, $0x7780  }
.Ltmp5:
0x7a: {  	s1 =	sadd.s32 $0x80, s1;
	(pc) =	sbr.rel @p0 .LBB2_12-.Ltmp5, $2  }
0x7b: {  	_ =	sdelay $0x2  }
0x7c: {  	s2 =	sadd.s32 $0x200, s2;
	s4 =	sadd.s32 s4, s12  }
0x7d: {  	[tilespmem:s0], [sflag:$0x5] =	stream.linear.gather [hbm4b:s4+s6], $0x80, $0x38;
	[tilespmem:$0x1FA00] =	vst v63  }
0x7e: {  	_ =	swait.ge [sflag:s3], $0x7800  }
0x7f: {  	[sflag:s3] =	ssyncset.done $0x0  }
0x80: {  	[sflag:s3] =	ssyncadd.s32 $0xFFFF8800  }
0x81: {  	s24 =	simm.s32 $0x0;
	s25 =	simm.s32 $0x1E200;
	s1 =	rddreg [dreg:$0x8];
	[tilespmem:$0x1E180] =	vst v5  }
0x82: {  	[tilespmem:s25], [sflag:$0x1] =	stream.linear.gather [hbm4b:s1+s24], $0x80, $0x38;
	[tilespmem:$0x1FA00] =	vst v63  }
0x83: {  	s2 =	simm.s32 $0x1E300;
	s26 =	sadd.s32 $0x20, s1  }
0x84: {  	[tilespmem:s2], [sflag:$0x1] =	stream.linear.gather [hbm4b:s26+s24], $0x80, $0x38;
	[tilespmem:$0x1FA00] =	vst v63  }
0x85: {  	s29 =	simm.s32 $0x1E400;
	s28 =	sadd.s32 $0x40, s1  }
0x86: {  	[tilespmem:s29], [sflag:$0x1] =	stream.linear.gather [hbm4b:s28+s24], $0x80, $0x38;
	[tilespmem:$0x1FA00] =	vst v63  }
0x87: {  	s31 =	simm.s32 $0x1E500;
	s16 =	simm.s32 $0x0;
	s30 =	sadd.s32 $0x60, s1  }
0x88: {  	[tilespmem:s31], [sflag:$0x1] =	stream.linear.gather [hbm4b:s30+s24], $0x80, $0x38;
	[tilespmem:$0x1FA00] =	vst v63  }
.LBB2_14:
0x89: {  	s1 =	sshllo.u32 s16, $0x1  }
0x8a: {  	s0 =	sshll.u32 s1, $0xA  }
0x8b: {  	s0 =	sor.u32 s20, s0  }
0x8c: {  	s2 =	rddreg [dreg:$0x4];
	s0 =	sshrl.u32 s0, $0x3  }
0x8d: {  	s15 =	simm.s32 $0x1E280;
	s0 =	sadd.s32 s2, s0  }
0x8e: {  	[tilespmem:s15], [sflag:$0x2] =	stream.linear.gather [hbm4b:s0+s6], $0x80, $0x38;
	[tilespmem:$0x1FA00] =	vst v63  }
0x8f: {  	s3 =	simm.s32 $0x1E380;
	s19 =	sadd.s32 $0x20, s0  }
0x90: {  	[tilespmem:s3], [sflag:$0x2] =	stream.linear.gather [hbm4b:s19+s6], $0x80, $0x38;
	[tilespmem:$0x1FA00] =	vst v63  }
0x91: {  	s21 =	simm.s32 $0x1E480;
	s20 =	sadd.s32 $0x40, s0  }
0x92: {  	[tilespmem:s21], [sflag:$0x2] =	stream.linear.gather [hbm4b:s20+s6], $0x80, $0x38;
	[tilespmem:$0x1FA00] =	vst v63  }
0x93: {  	s22 =	simm.s32 $0x1E580;
	s23 =	simm.s32 $0x1;
	s0 =	sadd.s32 $0x60, s0  }
0x94: {  	[tilespmem:s22], [sflag:$0x2] =	stream.linear.gather [hbm4b:s0+s6], $0x80, $0x38;
	[tilespmem:$0x1FA00] =	vst v63  }
0x95: {  	_ =	swait.ge [sflag:s23], $0x200  }
0x96: {  	p0 =	seq.s32 s16, $0x0;
	s24 =	simm.s32 $0x0;
	[sflag:s23] =	ssyncset.done $0x0  }
0x97: {  	s25 =	simm.s32 $0x0;
	s0 =	simm.s32 @!p0 $0x3;
	[sflag:s23] =	ssyncadd.s32 $0xFFFFFE00  }
0x98: {  	s5 =	sand.u32 $0x40, s25;
	s2 =	sand.u32 $0x3FFFFF00, s24;
	_ =	swait.ge @!p0 [sflag:s0], $0x800  }
0x99: {  	s7 =	sor.u32 $0x30, s5;
	s2 =	sadd.s32 $0x1E200, s2;
	[sflag:s0] =	ssyncset.done @!p0 $0x0  }
0x9a: {  	s26 =	sor.u32 s7, s2;
	[sflag:s0] =	ssyncadd.s32 @!p0 $0xFFFFF800  }
0x9b: {  	v6 =	vld [tilespmem:s26+$0x0]  }
0x9c: {  	s4 =	sor.u32 s5, s2;
	s19 =	sor.u32 $0x10, s5  }
0x9d: {  	s3 =	sor.u32 s19, s2;
	v7 =	vld [tilespmem:s4+$0x0]  }
0x9e: {  	s9 =	sor.u32 $0x20, s5;
	v8 =	vld [tilespmem:s3+$0x0]  }
0x9f: {  	s15 =	sor.u32 s9, s2  }
0xa0: {  	v9 =	vld [tilespmem:s15+$0x0];
	v10 =	vshll.u32 v6, $0x2  }
0xa1: {  	v6 =	vand.u32 $0x7F, v6;
	v10 =	vand.u32 $0xFFFFFE00, v10  }
0xa2: {  	s21 =	simm.s32 $0x0;
	s22 =	simm.s32 $0x80;
	s23 =	simm.s32 $0x40;
	v6 =	vor.u32 v6, v10  }
0xa3: {  	s2 =	sand.u32 $0x3FFFFF00, s22;
	s0 =	sand.u32 $0x3FFFFE00, s21;
	s4 =	sand.u32 $0x40, s23;
	v11 =	vshll.u32 v7, $0x2;
	v12 =	vshll.u32 v8, $0x2  }
0xa4: {  	s2 =	sadd.s32 $0x1E200, s2;
	s21 =	sadd.s32 $0x1E600, s0;
	s0 =	sor.u32 $0x10, s4;
	v7 =	vand.u32 $0x7F, v7;
	v8 =	vand.u32 $0x7F, v8;
	v10 =	vand.u32 $0xFFFFFE00, v11  }
0xa5: {  	s22 =	sor.u32 s0, s2;
	v11 =	vand.u32 $0xFFFFFE00, v12;
	v12 =	vshll.u32 v9, $0x2;
	v7 =	vor.u32 v7, v10  }
0xa6: {  	v20 =	vld [tilespmem:s22+$0x0];
	v9 =	vand.u32 $0x7F, v9;
	v10 =	vand.u32 $0xFFFFFE00, v12;
	v8 =	vor.u32 v8, v11  }
0xa7: {  	v9 =	vor.u32 v9, v10;
	v10 =	vld.idx.msk [tilespmem:v6+s6+$0x0], $0xffff  }
0xa8: {  	s3 =	simm.s32 $0x100;
	s25 =	sor.u32 s4, s2;
	v11 =	vor.u32 $0x80, v6  }
0xa9: {  	s26 =	sor.u32 $0x30, s4;
	s13 =	sor.u32 s7, s21;
	s14 =	sor.u32 $0x20, s4;
	v17 =	vld [tilespmem:s25+$0x0]  }
0xaa: {  	s7 =	sor.u32 s5, s21;
	s5 =	sand.u32 $0x3FFFFF00, s3;
	s24 =	sor.u32 s26, s2;
	v12 =	vld.idx.msk [tilespmem:v7+s6+$0x0], $0xffff  }
0xab: {  	s23 =	sor.u32 s14, s2;
	s2 =	sor.u32 s19, s21;
	s19 =	simm.s32 $0x80;
	v21 =	vshll.u32 v20, $0x2;
	v13 =	vld.idx.msk [tilespmem:v8+s6+$0x0], $0xffff  }
0xac: {  	s5 =	sadd.s32 $0x1E200, s5;
	s20 =	sand.u32 $0x40, s19;
	v20 =	vand.u32 $0x7F, v20;
	v15 =	vor.u32 $0x80, v7;
	v21 =	vand.u32 $0xFFFFFE00, v21;
	[tilespmem:s13+$0x0] =	vst v10;
	v10 =	vld [tilespmem:s24+$0x0]  }
0xad: {  	s15 =	sor.u32 s20, s5;
	v20 =	vor.u32 v20, v21;
	v11 =	vld.idx.msk [tilespmem:v11+s6+$0x0], $0xffff  }
0xae: {  	v22 =	vld [tilespmem:s15+$0x0];
	v16 =	vor.u32 $0x80, v8  }
0xaf: {  	v18 =	vor.u32 $0x100, v6;
	v14 =	vld.idx.msk [tilespmem:v9+s6+$0x0], $0xffff  }
0xb0: {  	[tilespmem:s7+$0x0] =	vst v12;
	v12 =	vld [tilespmem:s23+$0x0]  }
0xb1: {  	v19 =	vor.u32 $0x80, v9;
	[tilespmem:s2+$0x0] =	vst v13;
	v13 =	vld.idx.msk [tilespmem:v15+s6+$0x0], $0xffff;
	v15 =	vshll.u32 v10, $0x2  }
0xb2: {  	v27 =	vld.idx.msk [tilespmem:v20+s6+$0x0], $0xffff;
	v10 =	vand.u32 $0x7F, v10;
	[tilespmem:s13+$0x80] =	vst v11;
	v11 =	vand.u32 $0xFFFFFE00, v15  }
0xb3: {  	s30 =	sor.u32 s9, s21;
	s22 =	sor.u32 $0x10, s20;
	v16 =	vld.idx.msk [tilespmem:v16+s6+$0x0], $0xffff;
	v11 =	vor.u32 v10, v11;
	v10 =	vshll.u32 v17, $0x2  }
0xb4: {  	s24 =	sor.u32 s22, s5;
	[tilespmem:s30+$0x0] =	vst v14;
	v14 =	vld.idx.msk [tilespmem:v18+s6+$0x0], $0xffff;
	v18 =	vor.u32 $0x100, v7;
	v17 =	vand.u32 $0x7F, v17;
	v10 =	vand.u32 $0xFFFFFE00, v10  }
0xb5: {  	s21 =	sor.u32 $0x30, s20;
	v6 =	vor.u32 $0x180, v6;
	v10 =	vor.u32 v17, v10;
	v17 =	vld [tilespmem:s24+$0x0];
	s24 =	sor.u32 $0x20, s20  }
0xb6: {  	s9 =	sor.u32 s21, s5;
	v15 =	vld.idx.msk [tilespmem:v19+s6+$0x0], $0xffff;
	v23 =	vshll.u32 v12, $0x2;
	s5 =	sor.u32 s24, s5  }
0xb7: {  	v12 =	vand.u32 $0x7F, v12;
	v23 =	vand.u32 $0xFFFFFE00, v23;
	[tilespmem:s7+$0x80] =	vst v13;
	v13 =	vld [tilespmem:s5+$0x0]  }
0xb8: {  	v12 =	vor.u32 v12, v23;
	v21 =	vld.idx.msk [tilespmem:v11+s6+$0x0], $0xffff  }
0xb9: {  	s25 =	simm.s32 $0x100;
	v18 =	vld.idx.msk [tilespmem:v18+s6+$0x0], $0xffff;
	[tilespmem:s13+$0x100] =	vst v14;
	v14 =	vor.u32 $0x100, v8  }
0xba: {  	v24 =	vor.u32 $0x80, v11;
	s5 =	sand.u32 $0x3FFFFE00, s25;
	v23 =	vld.idx.msk [tilespmem:v6+s6+$0x0], $0xffff  }
0xbb: {  	[tilespmem:s2+$0x80] =	vst v16;
	s5 =	sadd.s32 $0x1E600, s5;
	v6 =	vor.u32 $0x100, v9;
	v25 =	vld.idx.msk [tilespmem:v10+s6+$0x0], $0xffff  }
0xbc: {  	v19 =	vld [tilespmem:s9+$0x0];
	v26 =	vor.u32 $0x80, v10;
	[tilespmem:s30+$0x80] =	vst v15;
	s31 =	sor.u32 s26, s5  }
0xbd: {  	v15 =	vld.idx.msk [tilespmem:v12+s6+$0x0], $0xffff;
	[tilespmem:s31+$0x0] =	vst v21;
	v21 =	vor.u32 $0x80, v20  }
0xbe: {  	v14 =	vld.idx.msk [tilespmem:v14+s6+$0x0], $0xffff;
	[tilespmem:s7+$0x100] =	vst v18;
	v18 =	vor.u32 $0x180, v7  }
0xbf: {  	v29 =	vor.u32 $0x180, v8;
	s28 =	sor.u32 s4, s5;
	v16 =	vld.idx.msk [tilespmem:v24+s6+$0x0], $0xffff  }
0xc0: {  	v30 =	vor.u32 $0x180, v9;
	v32 =	vor.u32 $0x100, v20;
	s4 =	sor.u32 s0, s5;
	v24 =	vor.u32 $0x100, v11;
	v31 =	vld.idx.msk [tilespmem:v6+s6+$0x0], $0xffff;
	[tilespmem:s28+$0x0] =	vst v25  }
0xc1: {  	v28 =	vor.u32 $0x80, v12;
	v8 =	vor.u32 $0x180, v12;
	v9 =	vor.u32 $0x100, v12;
	s29 =	sor.u32 s14, s5;
	[tilespmem:s4+$0x0] =	vst v27;
	v26 =	vld.idx.msk [tilespmem:v26+s6+$0x0], $0xffff  }
0xc2: {  	v7 =	vor.u32 $0x180, v10;
	[tilespmem:s29+$0x0] =	vst v15;
	v25 =	vor.u32 $0x100, v10;
	v10 =	vshll.u32 v19, $0x2;
	v33 =	vld.idx.msk [tilespmem:v21+s6+$0x0], $0xffff  }
0xc3: {  	v12 =	vand.u32 $0x7F, v19;
	v6 =	vor.u32 $0x180, v20;
	v10 =	vand.u32 $0xFFFFFE00, v10;
	[tilespmem:s2+$0x100] =	vst v14;
	v34 =	vld.idx.msk [tilespmem:v18+s6+$0x0], $0xffff  }
0xc4: {  	v19 =	vshll.u32 v17, $0x2;
	v17 =	vand.u32 $0x7F, v17;
	v10 =	vor.u32 v12, v10;
	[tilespmem:s31+$0x80] =	vst v16;
	v20 =	vld.idx.msk [tilespmem:v29+s6+$0x0], $0xffff  }
0xc5: {  	[tilespmem:s13+$0x180] =	vst v23;
	v14 =	vand.u32 $0xFFFFFE00, v19;
	v19 =	vor.u32 $0x180, v11;
	v16 =	vshll.u32 v22, $0x2;
	v15 =	vld.idx.msk [tilespmem:v24+s6+$0x0], $0xffff  }
0xc6: {  	v11 =	vshll.u32 v13, $0x2;
	[tilespmem:s30+$0x100] =	vst v31;
	v24 =	vld.idx.msk [tilespmem:v28+s6+$0x0], $0xffff;
	v12 =	vand.u32 $0xFFFFFE00, v16;
	v16 =	vand.u32 $0x7F, v22  }
0xc7: {  	v11 =	vand.u32 $0xFFFFFE00, v11;
	v21 =	vor.u32 v17, v14;
	v23 =	vld.idx.msk [tilespmem:v30+s6+$0x0], $0xffff;
	v27 =	vor.u32 v16, v12;
	[tilespmem:s28+$0x80] =	vst v26  }
0xc8: {  	v29 =	vor.u32 $0x80, v10;
	v14 =	vor.u32 $0x180, v21;
	v12 =	vand.u32 $0x7F, v13;
	v22 =	vld.idx.msk [tilespmem:v25+s6+$0x0], $0xffff;
	[tilespmem:s4+$0x80] =	vst v33  }
0xc9: {  	v16 =	vor.u32 $0x80, v21;
	v18 =	vor.u32 $0x80, v27;
	v26 =	vor.u32 v12, v11;
	v28 =	vld.idx.msk [tilespmem:v10+s6+$0x0], $0xffff;
	[tilespmem:s7+$0x180] =	vst v34  }
0xca: {  	v12 =	vor.u32 $0x100, v27;
	v11 =	vor.u32 $0x100, v21;
	v17 =	vor.u32 $0x80, v26;
	v25 =	vld.idx.msk [tilespmem:v32+s6+$0x0], $0xffff;
	[tilespmem:s31+$0x100] =	vst v15  }
0xcb: {  	s26 =	simm.s32 $0x8;
	s13 =	sshll.u32 s16, $0xD;
	s7 =	simm.s32 $0x200;
	v13 =	vor.u32 $0x180, v26;
	v15 =	vor.u32 $0x180, v27;
	[tilespmem:s29+$0x80] =	vst v24;
	v24 =	vld.idx.msk [tilespmem:v19+s6+$0x0], $0xffff;
	v19 =	vor.u32 $0x100, v26  }
.LBB2_15:
0xcc: {  	s26 =	sadd.s32 $0x4, s26;
	v27 =	vld.idx.msk [tilespmem:v27+s6+$0x0], $0xffff;
	s0 =	sand.u32 $0x3FFFFE00, s7;
	[tilespmem:s2+$0x180] =	vst v20;
	s2 =	smov.u32 s4  }
0xcd: {  	s19 =	sadd.s32 $0x40, s19;
	s4 =	sshll.u32 s26, $0x5;
	s5 =	sadd.s32 $0x1E600, s0;
	v20 =	vld.idx.msk [tilespmem:v21+s6+$0x0], $0xffff;
	[tilespmem:s30+$0x180] =	vst v23  }
0xce: {  	s7 =	sand.u32 $0x40, s19;
	s0 =	sand.u32 $0x3FFFFF00, s4;
	v21 =	vld.idx.msk [tilespmem:v26+s6+$0x0], $0xffff;
	s14 =	sor.u32 s21, s5;
	[tilespmem:s28+$0x100] =	vst v22  }
0xcf: {  	s23 =	sor.u32 $0x10, s7;
	s21 =	sor.u32 $0x30, s7;
	s0 =	sadd.s32 $0x1E200, s0;
	[tilespmem:s14+$0x0] =	vst v28;
	v22 =	vld.idx.msk [tilespmem:v9+s6+$0x0], $0xffff;
	v9 =	vmov v19  }
0xd0: {  	s30 =	sor.u32 $0x20, s7;
	s4 =	sor.u32 s7, s0;
	s3 =	sor.u32 s21, s0;
	v19 =	vld.idx.msk [tilespmem:v29+s6+$0x0], $0xffff;
	[tilespmem:s31+$0x180] =	vst v24  }
0xd1: {  	s31 =	sor.u32 s23, s0;
	s25 =	sor.u32 s30, s0;
	s0 =	sor.u32 s20, s5;
	v23 =	vld [tilespmem:s3+$0x0];
	[tilespmem:s2+$0x100] =	vst v25  }
0xd2: {  	p1 =	slt.u32 s26, $0x1C;
	s3 =	sor.u32 s24, s5;
	v25 =	vor.u32 $0x100, v10;
	v24 =	vld [tilespmem:s4+$0x0];
	[tilespmem:s0+$0x0] =	vst v27;
	s4 =	sor.u32 s22, s5  }
0xd3: {  	s20 =	smov.u32 s7;
	s22 =	smov.u32 s23;
	v26 =	vld [tilespmem:s31+$0x0];
	[tilespmem:s4+$0x0] =	vst v20;
	s31 =	smov.u32 s14  }
0xd4: {  	s24 =	smov.u32 s30;
	s30 =	smov.u32 s29;
	s29 =	smov.u32 s3;
	v28 =	vld [tilespmem:s25+$0x0];
	[tilespmem:s3+$0x0] =	vst v21  }
0xd5: {  	v18 =	vld.idx.msk [tilespmem:v18+s6+$0x0], $0xffff;
	[tilespmem:s30+$0x100] =	vst v22  }
0xd6: {  	v20 =	vshll.u32 v23, $0x2;
	v29 =	vld.idx.msk [tilespmem:v16+s6+$0x0], $0xffff;
	[tilespmem:s31+$0x80] =	vst v19  }
0xd7: {  	v19 =	vand.u32 $0x7F, v23;
	v16 =	vshll.u32 v24, $0x2;
	v20 =	vand.u32 $0xFFFFFE00, v20;
	v25 =	vld.idx.msk [tilespmem:v25+s6+$0x0], $0xffff  }
0xd8: {  	v16 =	vand.u32 $0xFFFFFE00, v16;
	v21 =	vshll.u32 v26, $0x2;
	v19 =	vor.u32 v19, v20;
	v30 =	vld.idx.msk [tilespmem:v17+s6+$0x0], $0xffff  }
0xd9: {  	v31 =	vor.u32 $0x180, v10;
	v17 =	vand.u32 $0xFFFFFE00, v21;
	v20 =	vshll.u32 v28, $0x2;
	v32 =	vld.idx.msk [tilespmem:v7+s6+$0x0], $0xffff;
	v10 =	vmovc v19;
	v7 =	vmovc v15  }
0xda: {  	v15 =	vand.u32 $0x7F, v24;
	v21 =	vand.u32 $0x7F, v26;
	v22 =	vand.u32 $0xFFFFFE00, v20;
	v20 =	vld.idx.msk [tilespmem:v6+s6+$0x0], $0xffff;
	v6 =	vmovc v14  }
.Ltmp6:
0xdb: {  	v27 =	vor.u32 v15, v16;
	v21 =	vor.u32 v21, v17;
	v14 =	vand.u32 $0x7F, v28;
	[tilespmem:s0+$0x80] =	vst v18;
	v23 =	vld.idx.msk [tilespmem:v8+s6+$0x0], $0xffff;
	(pc) =	sbr.rel @p1 .LBB2_15-.Ltmp6, $4  }
0xdc: {  	v18 =	vor.u32 $0x80, v27;
	v16 =	vor.u32 $0x80, v21;
	v26 =	vor.u32 v14, v22;
	v8 =	vmovc v13;
	v22 =	vld.idx.msk [tilespmem:v12+s6+$0x0], $0xffff;
	[tilespmem:s4+$0x80] =	vst v29  }
0xdd: {  	v33 =	vor.u32 $0x100, v21;
	v12 =	vor.u32 $0x100, v27;
	v17 =	vor.u32 $0x80, v26;
	v28 =	vld.idx.msk [tilespmem:v19+s6+$0x0], $0xffff;
	[tilespmem:s31+$0x100] =	vst v25  }
0xde: {  	v15 =	vor.u32 $0x180, v27;
	v14 =	vor.u32 $0x180, v21;
	v19 =	vor.u32 $0x100, v26;
	[tilespmem:s29+$0x80] =	vst v30;
	v24 =	vld.idx.msk [tilespmem:v31+s6+$0x0], $0xffff  }
0xdf: {  	s7 =	sshll.u32 s26, $0x6;
	v13 =	vor.u32 $0x180, v26;
	v29 =	vor.u32 $0x80, v10;
	v25 =	vld.idx.msk [tilespmem:v11+s6+$0x0], $0xffff;
	[tilespmem:s28+$0x180] =	vst v32;
	v11 =	vmov v33;
	s28 =	smov.u32 s0  }
0xe0: {  	_ =	sdelay $0x3  }
0xe1: {  	v27 =	vld.idx.msk [tilespmem:v27+s6+$0x0], $0xffff  }
0xe2: {  	s0 =	sand.u32 $0x3FFFFE00, s7;
	[tilespmem:s2+$0x180] =	vst v20  }
0xe3: {  	v20 =	vld.idx.msk [tilespmem:v21+s6+$0x0], $0xffff;
	[tilespmem:s30+$0x180] =	vst v23;
	s0 =	sadd.s32 $0x1E600, s0  }
0xe4: {  	v21 =	vld.idx.msk [tilespmem:v26+s6+$0x0], $0xffff;
	[tilespmem:s28+$0x100] =	vst v22;
	s15 =	sor.u32 s21, s0  }
0xe5: {  	s3 =	sor.u32 s20, s0;
	[tilespmem:s15+$0x0] =	vst v28  }
0xe6: {  	v22 =	vld.idx.msk [tilespmem:v29+s6+$0x0], $0xffff;
	[tilespmem:s3+$0x0] =	vst v27  }
0xe7: {  	v23 =	vor.u32 $0x100, v10;
	s5 =	sor.u32 s22, s0;
	[tilespmem:s31+$0x180] =	vst v24;
	v18 =	vld.idx.msk [tilespmem:v18+s6+$0x0], $0xffff  }
0xe8: {  	v9 =	vld.idx.msk [tilespmem:v9+s6+$0x0], $0xffff;
	s0 =	sor.u32 s24, s0;
	[tilespmem:s5+$0x0] =	vst v20  }
0xe9: {  	[tilespmem:s0+$0x0] =	vst v21;
	v16 =	vld.idx.msk [tilespmem:v16+s6+$0x0], $0xffff  }
0xea: {  	[tilespmem:s4+$0x100] =	vst v25;
	v17 =	vld.idx.msk [tilespmem:v17+s6+$0x0], $0xffff  }
0xeb: {  	v7 =	vld.idx.msk [tilespmem:v7+s6+$0x0], $0xffff;
	[tilespmem:s15+$0x80] =	vst v22  }
0xec: {  	v20 =	vld.idx.msk [tilespmem:v23+s6+$0x0], $0xffff;
	[tilespmem:s3+$0x80] =	vst v18  }
0xed: {  	v10 =	vor.u32 $0x180, v10;
	[tilespmem:s29+$0x100] =	vst v9;
	v12 =	vld.idx.msk [tilespmem:v12+s6+$0x0], $0xffff  }
0xee: {  	v6 =	vld.idx.msk [tilespmem:v6+s6+$0x0], $0xffff;
	[tilespmem:s5+$0x80] =	vst v16  }
0xef: {  	[tilespmem:s0+$0x80] =	vst v17;
	v11 =	vld.idx.msk [tilespmem:v11+s6+$0x0], $0xffff  }
0xf0: {  	[tilespmem:s28+$0x180] =	vst v7;
	v9 =	vld.idx.msk [tilespmem:v19+s6+$0x0], $0xffff  }
0xf1: {  	v8 =	vld.idx.msk [tilespmem:v8+s6+$0x0], $0xffff;
	[tilespmem:s15+$0x100] =	vst v20  }
0xf2: {  	v7 =	vld.idx.msk [tilespmem:v10+s6+$0x0], $0xffff;
	[tilespmem:s3+$0x100] =	vst v12  }
0xf3: {  	[tilespmem:s4+$0x180] =	vst v6;
	v10 =	vld.idx.msk [tilespmem:v15+s6+$0x0], $0xffff  }
0xf4: {  	[tilespmem:s5+$0x100] =	vst v11  }
0xf5: {  	[tilespmem:s0+$0x100] =	vst v9;
	v9 =	vld.idx.msk [tilespmem:v14+s6+$0x0], $0xffff  }
0xf6: {  	[tilespmem:s29+$0x180] =	vst v8;
	v6 =	vld.idx.msk [tilespmem:v13+s6+$0x0], $0xffff  }
0xf7: {  	[tilespmem:s15+$0x180] =	vst v7  }
0xf8: {  	[tilespmem:s3+$0x180] =	vst v10  }
0xf9: {  	s2 =	rddreg [dreg:$0xa]  }
0xfa: {  	p1 =	seq.s32 s16, $0xFF;
	s20 =	simm.s32 $0x200;
	[tilespmem:s5+$0x180] =	vst v9;
	s2 =	sadd.s32 s2, s13  }
0xfb: {  	s21 =	simm.s32 $0x400;
	s22 =	simm.s32 $0x1E600;
	[tilespmem:s0+$0x180] =	vst v6;
	s2 =	sshrl.u32 s2, $0x3  }
0xfc: {  	s0 =	sshll.u32 @!p1 s16, $0xB;
	s19 =	sadd.s32 s18, s2;
	s2 =	rddreg [dreg:$0x9]  }
0xfd: {  	[hbm4b:s19+s20] =	stream.strided.scatter [tilespmem:s22], [sflag:$0x3], $0x800, s21, s20, $0x38;
	[tilespmem:$0x1FA00] =	vst v63  }
0xfe: {  	s0 =	sadd.s32 @!p1 s2, s0  }
0xff: {  	s2 =	rddreg [dreg:$0x4];
	s0 =	sshrl.u32 @!p1 s0, $0x3  }
0x100: {  	s3 =	simm.s32 @!p1 $0x1E200;
	s0 =	sadd.s32 @!p1 s2, s0;
	s2 =	simm.s32 @!p1 $0x0  }
0x101: {  	[tilespmem:s3], [sflag:$0x1] =	stream.linear.gather @!p1 [hbm4b:s0+s2], $0x80, $0x38;
	[tilespmem:$0x1FA00] =	vst v63  }
0x102: {  	s4 =	simm.s32 @!p1 $0x1E300;
	s3 =	sadd.s32 @!p1 $0x20, s0  }
0x103: {  	[tilespmem:s4], [sflag:$0x1] =	stream.linear.gather @!p1 [hbm4b:s3+s2], $0x80, $0x38;
	[tilespmem:$0x1FA00] =	vst v63  }
0x104: {  	s3 =	sadd.s32 @!p1 $0x40, s0;
	s4 =	simm.s32 @!p1 $0x1E400  }
0x105: {  	[tilespmem:s4], [sflag:$0x1] =	stream.linear.gather @!p1 [hbm4b:s3+s2], $0x80, $0x38;
	[tilespmem:$0x1FA00] =	vst v63  }
0x106: {  	s23 =	simm.s32 $0x2;
	s0 =	sadd.s32 @!p1 $0x60, s0;
	s3 =	simm.s32 @!p1 $0x1E500  }
0x107: {  	[tilespmem:s3], [sflag:$0x1] =	stream.linear.gather @!p1 [hbm4b:s0+s2], $0x80, $0x38;
	[tilespmem:$0x1FA00] =	vst v63  }
0x108: {  	_ =	swait.ge [sflag:s23], $0x200  }
0x109: {  	s25 =	simm.s32 $0x0;
	[sflag:s23] =	ssyncset.done $0x0  }
0x10a: {  	s24 =	simm.s32 $0x0;
	s0 =	simm.s32 @!p0 $0x4;
	[sflag:s23] =	ssyncadd.s32 $0xFFFFFE00  }
0x10b: {  	s26 =	sand.u32 $0x40, s24;
	s4 =	sand.u32 $0x3FFFFF00, s25;
	_ =	swait.ge @!p0 [sflag:s0], $0x800  }
0x10c: {  	s7 =	sor.u32 $0x30, s26;
	s2 =	sadd.s32 $0x1E200, s4;
	[sflag:s0] =	ssyncset.done @!p0 $0x0  }
0x10d: {  	s5 =	sor.u32 s7, s2;
	[sflag:s0] =	ssyncadd.s32 @!p0 $0xFFFFF800  }
0x10e: {  	v6 =	vld [tilespmem:s5+$0x80]  }
0x10f: {  	s13 =	sor.u32 $0x10, s26;
	s9 =	sor.u32 s26, s2  }
0x110: {  	s14 =	sor.u32 s13, s2;
	v7 =	vld [tilespmem:s9+$0x80]  }
0x111: {  	s4 =	sor.u32 $0x20, s26;
	v8 =	vld [tilespmem:s14+$0x80]  }
0x112: {  	s15 =	sor.u32 s4, s2  }
0x113: {  	v9 =	vld [tilespmem:s15+$0x80];
	v10 =	vshll.u32 v6, $0x2  }
0x114: {  	v6 =	vand.u32 $0x7F, v6;
	v10 =	vand.u32 $0xFFFFFE00, v10  }
0x115: {  	v6 =	vor.u32 v6, v10  }
0x116: {  	v11 =	vshll.u32 v7, $0x2;
	v12 =	vshll.u32 v8, $0x2  }
0x117: {  	v7 =	vand.u32 $0x7F, v7;
	v8 =	vand.u32 $0x7F, v8;
	v10 =	vand.u32 $0xFFFFFE00, v11  }
0x118: {  	s20 =	simm.s32 $0x80;
	v11 =	vand.u32 $0xFFFFFE00, v12;
	v12 =	vshll.u32 v9, $0x2;
	v7 =	vor.u32 v7, v10  }
0x119: {  	s19 =	simm.s32 $0x40;
	s21 =	sand.u32 $0x3FFFFF00, s20;
	v9 =	vand.u32 $0x7F, v9;
	v10 =	vand.u32 $0xFFFFFE00, v12;
	v8 =	vor.u32 v8, v11  }
0x11a: {  	s2 =	sand.u32 $0x40, s19;
	s0 =	sadd.s32 $0x1E200, s21;
	v9 =	vor.u32 v9, v10;
	v10 =	vld.idx.msk [tilespmem:v6+s6+$0x0], $0xffff  }
0x11b: {  	s18 =	simm.s32 $0x0;
	s23 =	sor.u32 s2, s0;
	v11 =	vor.u32 $0x80, v6  }
0x11c: {  	s14 =	sand.u32 $0x3FFFFE00, s18;
	v16 =	vld [tilespmem:s23+$0x80]  }
0x11d: {  	s30 =	sor.u32 $0x30, s2;
	s3 =	sadd.s32 $0x1EE00, s14;
	v12 =	vld.idx.msk [tilespmem:v7+s6+$0x0], $0xffff  }
0x11e: {  	s19 =	sor.u32 s30, s0;
	s22 =	sor.u32 s7, s3;
	v15 =	vor.u32 $0x80, v7;
	v13 =	vld.idx.msk [tilespmem:v8+s6+$0x0], $0xffff  }
0x11f: {  	[tilespmem:s22+$0x0] =	vst v10;
	v10 =	vld [tilespmem:s19+$0x80]  }
0x120: {  	s19 =	sor.u32 $0x10, s2;
	v11 =	vld.idx.msk [tilespmem:v11+s6+$0x0], $0xffff  }
0x121: {  	s25 =	sor.u32 s26, s3;
	v17 =	vor.u32 $0x100, v6;
	v14 =	vld.idx.msk [tilespmem:v9+s6+$0x0], $0xffff;
	s24 =	sor.u32 s19, s0  }
0x122: {  	s20 =	sor.u32 $0x20, s2;
	v18 =	vor.u32 $0x80, v8;
	[tilespmem:s25+$0x0] =	vst v12;
	v19 =	vld [tilespmem:s24+$0x80]  }
0x123: {  	s9 =	sadd.s32 $0x1EE80, s14;
	v20 =	vor.u32 $0x80, v9;
	s0 =	sor.u32 s20, s0;
	v15 =	vld.idx.msk [tilespmem:v15+s6+$0x0], $0xffff  }
0x124: {  	s31 =	simm.s32 $0x80;
	s15 =	sor.u32 s7, s9;
	v22 =	vor.u32 $0x100, v7;
	v12 =	vld [tilespmem:s0+$0x80];
	v21 =	vshll.u32 v10, $0x2  }
0x125: {  	s18 =	sor.u32 s13, s3;
	s21 =	sor.u32 s4, s3;
	s5 =	sor.u32 s4, s9;
	v10 =	vand.u32 $0x7F, v10;
	[tilespmem:s15+$0x0] =	vst v11;
	v11 =	vand.u32 $0xFFFFFE00, v21  }
0x126: {  	v6 =	vor.u32 $0x180, v6;
	s22 =	sor.u32 s26, s9;
	[tilespmem:s18+$0x0] =	vst v13;
	s24 =	sor.u32 s13, s9;
	s9 =	simm.s32 $0x100;
	v21 =	vor.u32 $0x100, v8;
	v13 =	vld.idx.msk [tilespmem:v17+s6+$0x0], $0xffff;
	v11 =	vor.u32 v10, v11  }
0x127: {  	[tilespmem:s21+$0x0] =	vst v14;
	s21 =	sand.u32 $0x40, s31;
	s3 =	sand.u32 $0x3FFFFF00, s9;
	v10 =	vld.idx.msk [tilespmem:v18+s6+$0x0], $0xffff;
	v17 =	vshll.u32 v16, $0x2;
	v18 =	vshll.u32 v19, $0x2;
	v16 =	vand.u32 $0x7F, v16  }
0x128: {  	s3 =	sadd.s32 $0x1E200, s3;
	v19 =	vand.u32 $0x7F, v19;
	[tilespmem:s22+$0x0] =	vst v15;
	s22 =	sor.u32 $0x30, s21;
	v14 =	vand.u32 $0xFFFFFE00, v17;
	v17 =	vand.u32 $0xFFFFFE00, v18;
	v18 =	vld.idx.msk [tilespmem:v20+s6+$0x0], $0xffff  }
0x129: {  	s0 =	sadd.s32 $0x1EF00, s14;
	v20 =	vshll.u32 v12, $0x2;
	s18 =	sor.u32 s22, s3;
	v14 =	vor.u32 v16, v14;
	v16 =	vor.u32 v19, v17;
	v17 =	vld.idx.msk [tilespmem:v22+s6+$0x0], $0xffff  }
0x12a: {  	s23 =	sor.u32 s7, s0;
	v12 =	vand.u32 $0x7F, v12;
	v15 =	vand.u32 $0xFFFFFE00, v20;
	v23 =	vld [tilespmem:s18+$0x80]  }
0x12b: {  	v12 =	vor.u32 v12, v15;
	v15 =	vld.idx.msk [tilespmem:v11+s6+$0x0], $0xffff;
	[tilespmem:s23+$0x0] =	vst v13  }
0x12c: {  	s25 =	simm.s32 $0x100;
	[tilespmem:s24+$0x0] =	vst v10;
	v10 =	vld.idx.msk [tilespmem:v6+s6+$0x0], $0xffff  }
0x12d: {  	v13 =	vor.u32 $0x100, v9;
	s24 =	sand.u32 $0x3FFFFE00, s25;
	s25 =	sor.u32 s21, s3;
	v19 =	vld.idx.msk [tilespmem:v21+s6+$0x0], $0xffff  }
0x12e: {  	v6 =	vor.u32 $0x80, v11;
	v24 =	vld [tilespmem:s25+$0x80]  }
0x12f: {  	s23 =	sadd.s32 $0x1EE00, s24;
	v20 =	vld.idx.msk [tilespmem:v14+s6+$0x0], $0xffff  }
0x130: {  	[tilespmem:s5+$0x0] =	vst v18;
	v21 =	vld.idx.msk [tilespmem:v16+s6+$0x0], $0xffff;
	s15 =	sor.u32 s30, s23  }
0x131: {  	v18 =	vld.idx.msk [tilespmem:v12+s6+$0x0], $0xffff;
	[tilespmem:s15+$0x0] =	vst v15;
	v15 =	vor.u32 $0x80, v14  }
0x132: {  	v27 =	vor.u32 $0x180, v7;
	s29 =	sor.u32 $0x10, s21;
	s9 =	sor.u32 s26, s0;
	s5 =	sadd.s32 $0x1EF80, s14;
	v13 =	vld.idx.msk [tilespmem:v13+s6+$0x0], $0xffff  }
0x133: {  	s28 =	sor.u32 $0x20, s21;
	v22 =	vor.u32 $0x80, v16;
	[tilespmem:s9+$0x0] =	vst v17;
	s7 =	sor.u32 s7, s5;
	s15 =	sor.u32 s29, s3;
	v6 =	vld.idx.msk [tilespmem:v6+s6+$0x0], $0xffff  }
0x134: {  	v25 =	vor.u32 $0x100, v11;
	s18 =	sor.u32 s2, s23;
	s3 =	sor.u32 s28, s3;
	v26 =	vld [tilespmem:s15+$0x80];
	[tilespmem:s7+$0x0] =	vst v10  }
0x135: {  	v28 =	vor.u32 $0x180, v8;
	v29 =	vor.u32 $0x180, v9;
	v17 =	vor.u32 $0x80, v12;
	s25 =	sor.u32 s19, s23;
	v30 =	vld [tilespmem:s3+$0x80];
	[tilespmem:s18+$0x0] =	vst v20  }
0x136: {  	v33 =	vor.u32 $0x180, v11;
	v31 =	vor.u32 $0x100, v14;
	v7 =	vor.u32 $0x180, v14;
	s3 =	sadd.s32 $0x1EE80, s24;
	s15 =	sor.u32 s20, s23;
	[tilespmem:s25+$0x0] =	vst v21;
	v14 =	vld.idx.msk [tilespmem:v15+s6+$0x0], $0xffff  }
0x137: {  	v32 =	vor.u32 $0x100, v16;
	v8 =	vor.u32 $0x180, v12;
	v34 =	vld.idx.msk [tilespmem:v27+s6+$0x0], $0xffff;
	s9 =	sor.u32 s30, s3;
	[tilespmem:s15+$0x0] =	vst v18;
	v15 =	vshll.u32 v23, $0x2  }
0x138: {  	v9 =	vor.u32 $0x100, v12;
	v12 =	vand.u32 $0x7F, v23;
	s18 =	sor.u32 s13, s0;
	s0 =	sor.u32 s4, s0;
	v21 =	vld.idx.msk [tilespmem:v22+s6+$0x0], $0xffff;
	[tilespmem:s9+$0x0] =	vst v6;
	v15 =	vand.u32 $0xFFFFFE00, v15  }
0x139: {  	[tilespmem:s0+$0x0] =	vst v13;
	v13 =	vand.u32 $0x7F, v24;
	v6 =	vor.u32 $0x180, v16;
	v25 =	vld.idx.msk [tilespmem:v25+s6+$0x0], $0xffff;
	v10 =	vor.u32 v12, v15  }
0x13a: {  	s23 =	sor.u32 s2, s3;
	[tilespmem:s18+$0x0] =	vst v19;
	v16 =	vshll.u32 v24, $0x2;
	v18 =	vshll.u32 v26, $0x2;
	v11 =	vshll.u32 v30, $0x2;
	v12 =	vld.idx.msk [tilespmem:v17+s6+$0x0], $0xffff  }
0x13b: {  	s1 =	sshll.u32 s1, $0xC;
	v19 =	vld.idx.msk [tilespmem:v28+s6+$0x0], $0xffff;
	v15 =	vand.u32 $0xFFFFFE00, v16;
	v16 =	vand.u32 $0xFFFFFE00, v18;
	v17 =	vand.u32 $0x7F, v26;
	[tilespmem:s23+$0x0] =	vst v14  }
0x13c: {  	s25 =	sor.u32 s19, s3;
	s9 =	sadd.s32 $0x1EF00, s24;
	v22 =	vld.idx.msk [tilespmem:v29+s6+$0x0], $0xffff;
	v11 =	vand.u32 $0xFFFFFE00, v11;
	v24 =	vor.u32 v13, v15;
	v20 =	vor.u32 v17, v16;
	[dreg:$0xd] =	wrdreg s1  }
0x13d: {  	s15 =	sor.u32 s30, s9;
	v13 =	vand.u32 $0x7F, v30;
	v29 =	vor.u32 $0x80, v10;
	v18 =	vor.u32 $0x80, v24;
	v23 =	vld.idx.msk [tilespmem:v31+s6+$0x0], $0xffff;
	[tilespmem:s25+$0x0] =	vst v21  }
0x13e: {  	s14 =	sor.u32 s13, s5;
	s7 =	simm.s32 $0x8;
	s3 =	sor.u32 s20, s3;
	v16 =	vor.u32 $0x80, v20;
	v27 =	vor.u32 v13, v11;
	v13 =	vor.u32 $0x100, v24;
	[tilespmem:s15+$0x0] =	vst v25;
	v28 =	vld.idx.msk [tilespmem:v10+s6+$0x0], $0xffff  }
0x13f: {  	s13 =	sor.u32 s4, s5;
	s18 =	sor.u32 s26, s5;
	s5 =	simm.s32 $0x200;
	v11 =	vor.u32 $0x100, v20;
	v15 =	vor.u32 $0x180, v24;
	v17 =	vor.u32 $0x80, v27;
	[tilespmem:s3+$0x0] =	vst v12;
	v25 =	vld.idx.msk [tilespmem:v33+s6+$0x0], $0xffff  }
0x140: {  	s26 =	sor.u32 s19, s9;
	s4 =	sor.u32 s20, s9;
	s23 =	sor.u32 s2, s9;
	v14 =	vor.u32 $0x180, v20;
	v21 =	vor.u32 $0x100, v27;
	[tilespmem:s18+$0x0] =	vst v34;
	v12 =	vor.u32 $0x180, v27;
	v26 =	vld.idx.msk [tilespmem:v32+s6+$0x0], $0xffff  }
.LBB2_17:
0x141: {  	s7 =	sadd.s32 $0x4, s7;
	v24 =	vld.idx.msk [tilespmem:v24+s6+$0x0], $0xffff;
	s3 =	sand.u32 $0x3FFFFE00, s5;
	s31 =	sadd.s32 $0x40, s31;
	[tilespmem:s14+$0x0] =	vst v19  }
0x142: {  	s5 =	sand.u32 $0x40, s31;
	s0 =	sshll.u32 s7, $0x5;
	s14 =	sadd.s32 $0x1EE00, s3;
	v19 =	vld.idx.msk [tilespmem:v20+s6+$0x0], $0xffff;
	[tilespmem:s13+$0x0] =	vst v22  }
0x143: {  	s0 =	sand.u32 $0x3FFFFF00, s0;
	v20 =	vld.idx.msk [tilespmem:v27+s6+$0x0], $0xffff;
	s13 =	sor.u32 s22, s14;
	[tilespmem:s23+$0x0] =	vst v23;
	s23 =	sadd.s32 $0x1EF80, s24  }
0x144: {  	s25 =	sor.u32 $0x30, s5;
	s0 =	sadd.s32 $0x1E200, s0;
	[tilespmem:s13+$0x0] =	vst v28;
	v22 =	vld.idx.msk [tilespmem:v9+s6+$0x0], $0xffff;
	s13 =	sor.u32 s30, s23;
	v9 =	vmov v21  }
0x145: {  	s9 =	sor.u32 $0x10, s5;
	s15 =	sor.u32 $0x20, s5;
	s24 =	sor.u32 s25, s0;
	v21 =	vld.idx.msk [tilespmem:v29+s6+$0x0], $0xffff;
	[tilespmem:s13+$0x0] =	vst v25  }
0x146: {  	s13 =	sor.u32 s5, s0;
	s30 =	sor.u32 s9, s0;
	s18 =	sor.u32 s15, s0;
	v23 =	vld [tilespmem:s24+$0x80];
	[tilespmem:s26+$0x0] =	vst v26  }
0x147: {  	s0 =	sor.u32 s21, s14;
	s24 =	sor.u32 s29, s14;
	s26 =	sor.u32 s28, s14;
	v26 =	vor.u32 $0x100, v10;
	v25 =	vld [tilespmem:s13+$0x80]  }
0x148: {  	s14 =	sor.u32 s19, s23;
	s13 =	sor.u32 s20, s23;
	v27 =	vld [tilespmem:s30+$0x80];
	[tilespmem:s0+$0x0] =	vst v24;
	s0 =	sor.u32 s2, s23  }
0x149: {  	p0 =	slt.u32 s7, $0x1C;
	s2 =	sadd.s32 $0x1EE80, s3;
	v28 =	vld [tilespmem:s18+$0x80];
	[tilespmem:s24+$0x0] =	vst v19;
	s24 =	smov.u32 s3  }
0x14a: {  	s3 =	sor.u32 s21, s2;
	s18 =	sor.u32 s29, s2;
	s19 =	sor.u32 s22, s2;
	v18 =	vld.idx.msk [tilespmem:v18+s6+$0x0], $0xffff;
	[tilespmem:s26+$0x0] =	vst v20  }
0x14b: {  	s1 =	sor.u32 s28, s2;
	s2 =	smov.u32 s21;
	s21 =	smov.u32 s5;
	v19 =	vshll.u32 v23, $0x2;
	v29 =	vld.idx.msk [tilespmem:v16+s6+$0x0], $0xffff;
	[tilespmem:s19+$0x0] =	vst v21  }
0x14c: {  	s30 =	smov.u32 s22;
	s22 =	smov.u32 s25;
	v20 =	vand.u32 $0x7F, v23;
	s19 =	smov.u32 s29;
	v16 =	vshll.u32 v25, $0x2;
	v19 =	vand.u32 $0xFFFFFE00, v19;
	v21 =	vld.idx.msk [tilespmem:v26+s6+$0x0], $0xffff;
	[tilespmem:s4+$0x0] =	vst v22  }
0x14d: {  	s20 =	smov.u32 s28;
	s28 =	smov.u32 s15;
	s29 =	smov.u32 s9;
	v16 =	vand.u32 $0xFFFFFE00, v16;
	v22 =	vshll.u32 v27, $0x2;
	v26 =	vor.u32 v20, v19;
	v30 =	vld.idx.msk [tilespmem:v17+s6+$0x0], $0xffff  }
0x14e: {  	v31 =	vor.u32 $0x180, v10;
	v17 =	vand.u32 $0xFFFFFE00, v22;
	v19 =	vshll.u32 v28, $0x2;
	v32 =	vld.idx.msk [tilespmem:v7+s6+$0x0], $0xffff;
	v10 =	vmovc v26;
	v7 =	vmovc v15  }
0x14f: {  	v20 =	vand.u32 $0x7F, v27;
	v15 =	vand.u32 $0x7F, v25;
	v23 =	vand.u32 $0xFFFFFE00, v19;
	v19 =	vld.idx.msk [tilespmem:v6+s6+$0x0], $0xffff;
	v6 =	vmovc v14  }
.Ltmp7:
0x150: {  	v24 =	vor.u32 v15, v16;
	v20 =	vor.u32 v20, v17;
	v14 =	vand.u32 $0x7F, v28;
	[tilespmem:s3+$0x0] =	vst v18;
	s3 =	sadd.s32 $0x1EF00, s24;
	v22 =	vld.idx.msk [tilespmem:v8+s6+$0x0], $0xffff;
	(pc) =	sbr.rel @p0 .LBB2_17-.Ltmp7, $4  }
0x151: {  	v18 =	vor.u32 $0x80, v24;
	v16 =	vor.u32 $0x80, v20;
	v27 =	vor.u32 v14, v23;
	v8 =	vmovc v12;
	v23 =	vld.idx.msk [tilespmem:v13+s6+$0x0], $0xffff;
	s23 =	sor.u32 s2, s3;
	[tilespmem:s18+$0x0] =	vst v29;
	s26 =	sor.u32 s19, s3;
	s5 =	sor.u32 s30, s3  }
0x152: {  	v33 =	vor.u32 $0x100, v20;
	v13 =	vor.u32 $0x100, v24;
	v17 =	vor.u32 $0x80, v27;
	s4 =	sor.u32 s20, s3;
	v28 =	vld.idx.msk [tilespmem:v26+s6+$0x0], $0xffff;
	[tilespmem:s5+$0x0] =	vst v21  }
0x153: {  	v15 =	vor.u32 $0x180, v24;
	v14 =	vor.u32 $0x180, v20;
	v21 =	vor.u32 $0x100, v27;
	[tilespmem:s1+$0x0] =	vst v30;
	v25 =	vld.idx.msk [tilespmem:v31+s6+$0x0], $0xffff  }
0x154: {  	v12 =	vor.u32 $0x180, v27;
	v29 =	vor.u32 $0x80, v10;
	s5 =	sshll.u32 s7, $0x6;
	v26 =	vld.idx.msk [tilespmem:v11+s6+$0x0], $0xffff;
	[tilespmem:s0+$0x0] =	vst v32;
	v11 =	vmov v33  }
0x155: {  	_ =	sdelay $0x3  }
0x156: {  	v24 =	vld.idx.msk [tilespmem:v24+s6+$0x0], $0xffff  }
0x157: {  	s0 =	sand.u32 $0x3FFFFE00, s5;
	[tilespmem:s14+$0x0] =	vst v19  }
0x158: {  	[tilespmem:s13+$0x0] =	vst v22;
	s1 =	sadd.s32 $0x1EE00, s0  }
0x159: {  	v55 =	vld.idx.msk [tilespmem:v20+s6+$0x0], $0xffff;
	[tilespmem:s23+$0x0] =	vst v23;
	s3 =	sor.u32 s22, s1  }
0x15a: {  	v56 =	vld.idx.msk [tilespmem:v27+s6+$0x0], $0xffff;
	s23 =	sadd.s32 $0x1EF80, s24;
	s15 =	sor.u32 s21, s1;
	[tilespmem:s3+$0x0] =	vst v28  }
0x15b: {  	s24 =	sor.u32 s30, s23;
	v57 =	vld.idx.msk [tilespmem:v29+s6+$0x0], $0xffff;
	[tilespmem:s15+$0x0] =	vst v24  }
0x15c: {  	v58 =	vor.u32 $0x100, v10;
	[tilespmem:s24+$0x0] =	vst v25;
	v18 =	vld.idx.msk [tilespmem:v18+s6+$0x0], $0xffff  }
0x15d: {  	v9 =	vld.idx.msk [tilespmem:v9+s6+$0x0], $0xffff;
	s18 =	sor.u32 s29, s1;
	[tilespmem:s26+$0x0] =	vst v26  }
0x15e: {  	s7 =	sadd.s32 $0x1EE80, s0;
	s1 =	sor.u32 s28, s1;
	v7 =	vld.idx.msk [tilespmem:v7+s6+$0x0], $0xffff;
	[tilespmem:s18+$0x0] =	vst v55  }
0x15f: {  	s25 =	sor.u32 s22, s7;
	[tilespmem:s1+$0x0] =	vst v56;
	v16 =	vld.idx.msk [tilespmem:v16+s6+$0x0], $0xffff  }
0x160: {  	s30 =	sor.u32 s21, s7;
	v17 =	vld.idx.msk [tilespmem:v17+s6+$0x0], $0xffff;
	[tilespmem:s25+$0x0] =	vst v57  }
0x161: {  	v59 =	vld.idx.msk [tilespmem:v58+s6+$0x0], $0xffff;
	[tilespmem:s30+$0x0] =	vst v18  }
0x162: {  	v60 =	vor.u32 $0x180, v10;
	s2 =	sor.u32 s2, s23;
	[tilespmem:s4+$0x0] =	vst v9;
	v13 =	vld.idx.msk [tilespmem:v13+s6+$0x0], $0xffff  }
0x163: {  	s31 =	sor.u32 s29, s7;
	v6 =	vld.idx.msk [tilespmem:v6+s6+$0x0], $0xffff;
	[tilespmem:s2+$0x0] =	vst v7  }
0x164: {  	s9 =	sadd.s32 $0x1EF00, s0;
	s7 =	sor.u32 s28, s7;
	v8 =	vld.idx.msk [tilespmem:v8+s6+$0x0], $0xffff;
	[tilespmem:s31+$0x0] =	vst v16  }
0x165: {  	s13 =	sor.u32 s22, s9;
	[tilespmem:s7+$0x0] =	vst v17;
	v11 =	vld.idx.msk [tilespmem:v11+s6+$0x0], $0xffff  }
0x166: {  	s14 =	sor.u32 s21, s9;
	v61 =	vld.idx.msk [tilespmem:v21+s6+$0x0], $0xffff;
	[tilespmem:s13+$0x0] =	vst v59  }
0x167: {  	s19 =	sor.u32 s19, s23;
	v7 =	vld.idx.msk [tilespmem:v60+s6+$0x0], $0xffff;
	[tilespmem:s14+$0x0] =	vst v13  }
0x168: {  	s20 =	sor.u32 s20, s23;
	[tilespmem:s19+$0x0] =	vst v6;
	v62 =	vld.idx.msk [tilespmem:v15+s6+$0x0], $0xffff  }
0x169: {  	s15 =	sor.u32 s29, s9;
	[tilespmem:s20+$0x0] =	vst v8  }
0x16a: {  	s0 =	sadd.s32 $0x1EF80, s0;
	s18 =	sor.u32 s28, s9;
	[tilespmem:s15+$0x0] =	vst v11  }
0x16b: {  	s23 =	sor.u32 s22, s0;
	[tilespmem:s18+$0x0] =	vst v61;
	v63 =	vld.idx.msk [tilespmem:v14+s6+$0x0], $0xffff  }
0x16c: {  	s24 =	sor.u32 s21, s0;
	v6 =	vld.idx.msk [tilespmem:v12+s6+$0x0], $0xffff;
	[tilespmem:s23+$0x0] =	vst v7  }
0x16d: {  	s16 =	sadd.s32 $0x1, s16;
	[tilespmem:s24+$0x0] =	vst v62  }
0x16e: {  	p0 =	sne.s32 s16, $0x100;
	s1 =	rddreg [dreg:$0xa]  }
.Ltmp8:
0x16f: {  	s25 =	sor.u32 s29, s0;
	s26 =	rddreg [dreg:$0xd];
	(pc) =	sbr.rel @p0 .LBB2_14-.Ltmp8, $4  }
0x170: {  	s0 =	sor.u32 s28, s0;
	s29 =	simm.s32 $0x200;
	[tilespmem:s25+$0x0] =	vst v63;
	s1 =	sadd.s32 s1, s26  }
0x171: {  	s30 =	simm.s32 $0x400;
	s18 =	rddreg [dreg:$0x3];
	[tilespmem:s0+$0x0] =	vst v6;
	s1 =	sshrl.u32 s1, $0x3  }
0x172: {  	s31 =	simm.s32 $0x1EE00;
	s20 =	rddreg [dreg:$0x7];
	s28 =	sadd.s32 s18, s1  }
0x173: {  	[hbm4b:s28+s29] =	stream.strided.scatter [tilespmem:s31], [sflag:$0x4], $0x800, s30, s29, $0x38;
	[tilespmem:$0x1FA00] =	vst v63  }
0x174: {  	s0 =	simm.s32 $0x3  }
0x175: {  	_ =	swait.ge [sflag:s0], $0x800  }
0x176: {  	[sflag:s0] =	ssyncset.done $0x0  }
0x177: {  	s1 =	simm.s32 $0x4;
	[sflag:s0] =	ssyncadd.s32 $0xFFFFF800  }
0x178: {  	_ =	swait.ge [sflag:s1], $0x800  }
0x179: {  	s2 =	rddreg [dreg:$0xc]  }
0x17a: {  	s31 =	rddreg [dreg:$0xb];
	s2 =	sadd.s32 $0x1, s2  }
0x17b: {  	p0 =	sne.s32 s2, s31  }
.Ltmp9:
0x17c: {  	_ = 	snop;
	(pc) =	sbr.rel @p0 .LBB2_1-.Ltmp9, $4  }
0x17d: {  	[sflag:s1] =	ssyncset.done $0x0  }
0x17e: {  	s3 =	simm.s32 $0x5;
	s19 =	rddreg [dreg:$0x6];
	[sflag:s1] =	ssyncadd.s32 $0xFFFFF800  }
0x17f: {  	s21 =	simm.s32 $0x1F800;
	s22 =	simm.s32 $0x80;
	s9 =	rddreg [dreg:$0x1]  }
0x180: {  	s23 =	simm.s32 $0x100;
	s24 =	simm.s32 $0x1F900;
	s15 =	rddreg [dreg:$0x2]  }
0x181: {  	_ =	sfence.sel $0x180000  }
0x182: {  	[bflag:$0x0] =	sbarrier.arrive $0xFFFF  }
0x183: {  	_ =	strace $0x90000047  }
0x184: {  	s0 =	stileid.u32;
	[bflag:$0x2] =	sbarrier.arrive $0xFFFF  }
0x185: {  	p0 =	sne.s32 s0, $0x0;
	s0 =	rddreg [dreg:$0x5]  }
0x186: {  	s0 =	sadd.s32 @!p0 $0x100000, s0  }
0x187: {  	[sflag:s0] =	ssyncadd.tile.s32 @!p0 $0x1;
	_ =	shalt  }
.Lfunc_end2:
_tile_overlayer_lowered:
.L_overlay_start_2:
0x188: {  	(tag) =	ssettag $0x2  }
0x189: {  	s0 =	rddreg [dreg:$0x0];
	s2 =	stileid.u32  }
0x18a: {  	s1 =	rddreg [dreg:$0x1];
	p0 =	sne.s32 s2, $0x0  }
0x18b: {  	s3 =	rddreg [dreg:$0x2];
	[bflag:$0x3] =	sbarrier.arrive $0xFFFF;
	s2 =	simm.s32 @!p0 $0x1C05  }
0x18c: {  	[timem:s3], [sflag:s2] =	dma.local @!p0 [hbm:s0], s1  }
0x18d: {  	s0 =	simm.s32 @!p0 $0x5  }
0x18e: {  	_ =	swait.ge @!p0 [sflag:s0], s1  }
0x18f: {  	s1 =	ssub.s32 @!p0 $0x0, s1;
	[sflag:s0] =	ssyncset.done @!p0 $0x0  }
0x190: {  	[sflag:s0] =	ssyncadd.s32 @!p0 s1  }
0x191: {  	[bflag:$0x3] =	sbarrier.arrive $0xFFFF  }
0x192: {  	_ =	shalt  }

</sc_bundles>
